<compile_context>
chip_gen: v7x
topology: tpu7x:2x2x1
jax: 0.10.2.dev20260603
libtpu: 0.0.44.dev20260713+nightly
codegen_flags: <defaults>
</compile_context>

<pallas_src>
import functools

import jax
import jax.numpy as jnp
from jax import lax
from jax.experimental import pallas as pl
from jax.experimental.pallas import tpu as pltpu
from jax.experimental.pallas import tpu_sc as plsc

_NC = 2
_NS = 16
_NW = _NC * _NS
_G = 128
_K = 2
_S = _G * _K
_NB = 4

_PB = 16384
_NBLK = 31
_VP = _PB * _NBLK
_BCLAMP = 61


def _pack_table_body(in_a, in_b, out_ref):
    out_ref[...] = jnp.concatenate([in_a[...], in_b[...]], axis=0).T


def _pack_table(tab_t):
    return pl.pallas_call(
        _pack_table_body,
        grid=(_NBLK,),
        in_specs=[
            pl.BlockSpec((64, _PB), lambda i: (0, i)),
            pl.BlockSpec((64, _PB),
                         lambda i: (0, jnp.minimum(i + _NBLK, _BCLAMP))),
        ],
        out_specs=pl.BlockSpec((_PB, 128), lambda i: (i, 0)),
        out_shape=jax.ShapeDtypeStruct((_VP, 128), jnp.float32),
    )(tab_t, tab_t)


def _lookup_body(table_hbm, idx_hbm, out_hbm, idx_v, va, vb, bufs,
                 isem, gs0, gs1, gs2, gs3, ss0, ss1, ss2, ss3):
    gsems = (gs0, gs1, gs2, gs3)
    ssems = (ss0, ss1, ss2, ss3)
    wid = lax.axis_index("s") * _NC + lax.axis_index("c")
    bpw = idx_v.shape[0]
    base = wid * bpw
    npair = bpw // 2
    j0 = wid * npair
    t0 = j0 // 2048
    r0 = j0 - t0 * 2048
    for s in range(7):
        pltpu.async_copy(
            idx_hbm.at[pl.ds((t0 + s) * 4096, 2048)],
            va.at[pl.ds(s * 2048, 2048)], isem)
        pltpu.async_copy(
            idx_hbm.at[pl.ds((t0 + s) * 4096 + 2048, 2048)],
            vb.at[pl.ds(s * 2048, 2048)], isem)
    pltpu.make_async_copy(idx_hbm.at[pl.ds(0, va.shape[0])], va, isem).wait()
    pltpu.make_async_copy(idx_hbm.at[pl.ds(0, vb.shape[0])], vb, isem).wait()

    lane = lax.iota(jnp.int32, 16)

    @pl.loop(0, npair // 16)
    def _(i):
        a = va[pl.ds(r0 + i * 16, 16)]
        b = vb[pl.ds(r0 + i * 16, 16)]
        ra = jnp.where(a < _VP, 2 * a, 2 * a - (2 * _VP - 1))
        rb = jnp.where(b < _VP, 2 * b, 2 * b - (2 * _VP - 1))
        pos = 32 * i + 2 * lane
        plsc.store_scatter(idx_v, [pos], ra)
        plsc.store_scatter(idx_v, [pos + 1], rb)

    nsc = bpw // _S

    def fire(sc, p):
        for k in range(_K):
            off = sc * _S + k * _G
            pltpu.async_copy(
                table_hbm.at[idx_v.at[pl.ds(off, _G)]],
                bufs.at[p].at[pl.ds(k * _G, _G)],
                gsems[p])

    def wait_gather(p):
        pltpu.make_async_copy(
            table_hbm.at[pl.ds(0, _S)], bufs.at[p], gsems[p]).wait()

    def wait_store(p):
        pltpu.make_async_copy(
            bufs.at[p], out_hbm.at[pl.ds(base, _S)], ssems[p]).wait()

    for p in range(_NB - 1):
        fire(p, p)

    @pl.loop(0, nsc // _NB)
    def _(g):
        for p in range(_NB):
            sc = g * _NB + p
            scf = sc + _NB - 1
            pf = (p + _NB - 1) % _NB
            if p == 0:
                @pl.when(g >= 1)
                def _():
                    wait_store(pf)
                fire(scf, pf)
            else:
                wait_store(pf)

                @pl.when(scf < nsc)
                def _():
                    fire(scf, pf)
            wait_gather(p)
            pltpu.async_copy(
                bufs.at[p], out_hbm.at[pl.ds(base + sc * _S, _S)], ssems[p])

    wait_store((nsc - 1) % _NB)


@functools.partial(jax.jit, static_argnames=())
def _gather_rows(idx_flat, table):
    b = idx_flat.shape[0]
    d = table.shape[1]
    bpw = b // _NW
    mesh = plsc.VectorSubcoreMesh(core_axis_name="c", subcore_axis_name="s")
    f = pl.kernel(
        _lookup_body,
        out_type=jax.ShapeDtypeStruct((b, d), jnp.float32),
        mesh=mesh,
        scratch_types=[
            pltpu.VMEM((bpw,), jnp.int32),
            pltpu.VMEM((7 * 2048,), jnp.int32),
            pltpu.VMEM((7 * 2048,), jnp.int32),
            pltpu.VMEM((_NB, _S, d), jnp.float32),
            pltpu.SemaphoreType.DMA,
            pltpu.SemaphoreType.DMA,
            pltpu.SemaphoreType.DMA,
            pltpu.SemaphoreType.DMA,
            pltpu.SemaphoreType.DMA,
            pltpu.SemaphoreType.DMA,
            pltpu.SemaphoreType.DMA,
            pltpu.SemaphoreType.DMA,
            pltpu.SemaphoreType.DMA,
        ],
        compiler_params=pltpu.CompilerParams(
            use_tc_tiling_on_sc=False, needs_layout_passes=False),
    )
    return f(table, idx_flat)


def _unpack_out_body(in_ref, out_ref):
    for t in range(8):
        y = in_ref[t * 2048:(t + 1) * 2048, :].T
        out_ref[t, :, 0:2048] = y[0:64, :]
        out_ref[t, :, 2048:4096] = y[64:128, :]


def _unpack_out(g2, nt, nb, d):
    rows_per_t = nb * d // 128
    return pl.pallas_call(
        _unpack_out_body,
        grid=(nt // 8,),
        in_specs=[pl.BlockSpec((8 * rows_per_t, 128), lambda i: (i, 0))],
        out_specs=pl.BlockSpec((8, d, nb), lambda i: (i, 0, 0)),
        out_shape=jax.ShapeDtypeStruct((nt, d, nb), jnp.float32),
    )(g2)


def kernel(indices, table):
    nb, nt = indices.shape
    d = table.shape[1]
    tab_p = _pack_table(table.T)
    tab_lin = jnp.reshape(tab_p, (2 * _VP, d))
    idx_flat = indices.T.reshape(nb * nt)
    g = _gather_rows(idx_flat, tab_lin)
    g2 = jnp.reshape(g, (nb * nt * d // 128, 128))
    out_t = _unpack_out(g2, nt, nb, d)
    return jnp.transpose(out_t, (2, 0, 1))

# --- scband reference (transcript-rebuilt; emitter-appended) ---
"""Pipeline reference for scband-word-embedding-50268297233104 (READ-ONLY COPY).

The authoritative reference and input builder live on the scoring server;
editing this copy changes nothing except your own understanding.
"""

import jax, jax.numpy as jnp
import numpy as np

VOCAB = 1000000
H_DIM = 64


def setup_inputs(seed: int = 0) -> dict:
    key = jax.random.key(seed)
    k_idx, k_tab = jax.random.split(key)
    indices = jax.random.randint(k_idx, (4096, 200), 0, VOCAB, dtype=jnp.int64 if jax.config.jax_enable_x64 else jnp.int32)
    table = jax.random.normal(k_tab, (VOCAB, H_DIM), dtype=jnp.float32)
    return {"indices": indices, "table": table}


def reference(indices, table):
    # Faithful translation of nn.Embedding lookup: word_embeddings(indices)
    return jnp.take(table, indices, axis=0)

if __name__ == "__main__":
    import jax
    _d = setup_inputs()
    print(jax.jit(kernel)(*tuple(_d.values())))

</pallas_src>

<mosaic_0001>
#map = affine_map<(d0, d1) -> (0, 0)>
#map1 = affine_map<(d0, d1) -> (0)>
module attributes {stable_mosaic.version = 14 : i64} {
  func.func @_lookup_body(%arg0: i32, %arg1: i32, %arg2: memref<1015808x64xf32, #tpu.memory_space<hbm>>, %arg3: memref<819200xi32, #tpu.memory_space<hbm>>, %arg4: memref<819200x64xf32, #tpu.memory_space<hbm>>, %arg5: memref<25600xi32, #tpu.memory_space<vmem>>, %arg6: memref<14336xi32, #tpu.memory_space<vmem>>, %arg7: memref<14336xi32, #tpu.memory_space<vmem>>, %arg8: memref<4x256x64xf32, #tpu.memory_space<vmem>>, %arg9: memref<!tpu.dma_semaphore, #tpu.memory_space<semaphore_mem>>, %arg10: memref<!tpu.dma_semaphore, #tpu.memory_space<semaphore_mem>>, %arg11: memref<!tpu.dma_semaphore, #tpu.memory_space<semaphore_mem>>, %arg12: memref<!tpu.dma_semaphore, #tpu.memory_space<semaphore_mem>>, %arg13: memref<!tpu.dma_semaphore, #tpu.memory_space<semaphore_mem>>, %arg14: memref<!tpu.dma_semaphore, #tpu.memory_space<semaphore_mem>>, %arg15: memref<!tpu.dma_semaphore, #tpu.memory_space<semaphore_mem>>, %arg16: memref<!tpu.dma_semaphore, #tpu.memory_space<semaphore_mem>>, %arg17: memref<!tpu.dma_semaphore, #tpu.memory_space<semaphore_mem>>) attributes {dimension_semantics = [#tpu.dimension_semantics<core_parallel>, #tpu.dimension_semantics<subcore_parallel>], iteration_bounds = array<i64: 2, 16>, scalar_prefetch = 0 : i64, scratch_operands = 13 : i64, tpu.core_type = #tpu.core_type<sc_vector_subcore>, window_params = [{transform_indices = #map}, {transform_indices = #map1}, {transform_indices = #map}]} {
    %mul3A = arith.constant 2 : i32
    %mul3A_0 = arith.muli %arg1, %mul3A : i32
    %add3A = arith.addi %mul3A_0, %arg0 : i32
    %mul3A_1 = arith.constant 25600 : i32
    %mul3A_2 = arith.muli %add3A, %mul3A_1 : i32
    %mul3A_3 = arith.constant 12800 : i32
    %mul3A_4 = arith.muli %add3A, %mul3A_3 : i32
    %jit3A = arith.constant 2048 : i32
    %div3A = arith.divsi %mul3A_4, %jit3A : i32
    %sign3A = arith.constant 0 : i32
    %sign3A_5 = arith.cmpi sgt, %mul3A_4, %sign3A : i32
    %sign3A_6 = arith.extui %sign3A_5 : i1 to i32
    %sign3A_7 = arith.constant 0 : i32
    %sign3A_8 = arith.cmpi slt, %mul3A_4, %sign3A_7 : i32
    %sign3A_9 = arith.extui %sign3A_8 : i1 to i32
    %sign3A_10 = arith.subi %sign3A_6, %sign3A_9 : i32
    %sign3A_11 = arith.constant 0 : i32
    %sign3A_12 = arith.cmpi sgt, %jit3A, %sign3A_11 : i32
    %sign3A_13 = arith.extui %sign3A_12 : i1 to i32
    %sign3A_14 = arith.constant 0 : i32
    %sign3A_15 = arith.cmpi slt, %jit3A, %sign3A_14 : i32
    %sign3A_16 = arith.extui %sign3A_15 : i1 to i32
    %sign3A_17 = arith.subi %sign3A_13, %sign3A_16 : i32
    %ne3A = arith.cmpi ne, %sign3A_10, %sign3A_17 : i32
    %rem3A = arith.remsi %mul3A_4, %jit3A : i32
    %ne3A_18 = arith.constant 0 : i32
    %ne3A_19 = arith.cmpi ne, %rem3A, %ne3A_18 : i32
    %and3A = arith.andi %ne3A, %ne3A_19 : i1
    %sub3A = arith.constant 1 : i32
    %sub3A_20 = arith.subi %div3A, %sub3A : i32
    %select_n3A = arith.select %and3A, %sub3A_20, %div3A : i32
    %mul3A_21 = arith.constant 2048 : i32
    %mul3A_22 = arith.muli %select_n3A, %mul3A_21 : i32
    %sub3A_23 = arith.subi %mul3A_4, %mul3A_22 : i32
    %add3A_24 = arith.constant 0 : i32
    %add3A_25 = arith.addi %select_n3A, %add3A_24 : i32
    %mul3A_26 = arith.constant 4096 : i32
    %mul3A_27 = arith.muli %add3A_25, %mul3A_26 : i32
    %dma_start3A = arith.constant 0 : i32
    %dma_start3A_28 = tpu.memref_slice %arg6[%dma_start3A] : memref<14336xi32, #tpu.memory_space<vmem>> -> memref<2048xi32, #tpu.memory_space<vmem>>
    %dma_start3A_29 = tpu.memref_slice %arg3[%mul3A_27] : memref<819200xi32, #tpu.memory_space<hbm>> -> memref<2048xi32, #tpu.memory_space<hbm>>
    %dma_start3A_30 = arith.constant 0 : i32
    %dma_start3A_31 = tpu.memref_slice %arg6[%dma_start3A_30] : memref<14336xi32, #tpu.memory_space<vmem>> -> memref<2048xi32, #tpu.memory_space<vmem>>
    %dma_start3A_32 = tpu.memref_slice %arg3[%mul3A_27] : memref<819200xi32, #tpu.memory_space<hbm>> -> memref<2048xi32, #tpu.memory_space<hbm>>
    tpu.enqueue_dma source(%dma_start3A_32 : memref<2048xi32, #tpu.memory_space<hbm>>) target(%dma_start3A_31 : memref<2048xi32, #tpu.memory_space<vmem>>) target_semaphore(%arg9 : memref<!tpu.dma_semaphore, #tpu.memory_space<semaphore_mem>>)
    %add3A_33 = arith.constant 0 : i32
    %add3A_34 = arith.addi %select_n3A, %add3A_33 : i32
    %mul3A_35 = arith.constant 4096 : i32
    %mul3A_36 = arith.muli %add3A_34, %mul3A_35 : i32
    %add3A_37 = arith.constant 2048 : i32
    %add3A_38 = arith.addi %mul3A_36, %add3A_37 : i32
    %dma_start3A_39 = arith.constant 0 : i32
    %dma_start3A_40 = tpu.memref_slice %arg7[%dma_start3A_39] : memref<14336xi32, #tpu.memory_space<vmem>> -> memref<2048xi32, #tpu.memory_space<vmem>>
    %dma_start3A_41 = tpu.memref_slice %arg3[%add3A_38] : memref<819200xi32, #tpu.memory_space<hbm>> -> memref<2048xi32, #tpu.memory_space<hbm>>
    %dma_start3A_42 = arith.constant 0 : i32
    %dma_start3A_43 = tpu.memref_slice %arg7[%dma_start3A_42] : memref<14336xi32, #tpu.memory_space<vmem>> -> memref<2048xi32, #tpu.memory_space<vmem>>
    %dma_start3A_44 = tpu.memref_slice %arg3[%add3A_38] : memref<819200xi32, #tpu.memory_space<hbm>> -> memref<2048xi32, #tpu.memory_space<hbm>>
    tpu.enqueue_dma source(%dma_start3A_44 : memref<2048xi32, #tpu.memory_space<hbm>>) target(%dma_start3A_43 : memref<2048xi32, #tpu.memory_space<vmem>>) target_semaphore(%arg9 : memref<!tpu.dma_semaphore, #tpu.memory_space<semaphore_mem>>)
    %add3A_45 = arith.constant 1 : i32
    %add3A_46 = arith.addi %select_n3A, %add3A_45 : i32
    %mul3A_47 = arith.constant 4096 : i32
    %mul3A_48 = arith.muli %add3A_46, %mul3A_47 : i32
    %dma_start3A_49 = arith.constant 2048 : i32
    %dma_start3A_50 = tpu.memref_slice %arg6[%dma_start3A_49] : memref<14336xi32, #tpu.memory_space<vmem>> -> memref<2048xi32, #tpu.memory_space<vmem>>
    %dma_start3A_51 = tpu.memref_slice %arg3[%mul3A_48] : memref<819200xi32, #tpu.memory_space<hbm>> -> memref<2048xi32, #tpu.memory_space<hbm>>
    %dma_start3A_52 = arith.constant 2048 : i32
    %dma_start3A_53 = tpu.memref_slice %arg6[%dma_start3A_52] : memref<14336xi32, #tpu.memory_space<vmem>> -> memref<2048xi32, #tpu.memory_space<vmem>>
    %dma_start3A_54 = tpu.memref_slice %arg3[%mul3A_48] : memref<819200xi32, #tpu.memory_space<hbm>> -> memref<2048xi32, #tpu.memory_space<hbm>>
    tpu.enqueue_dma source(%dma_start3A_54 : memref<2048xi32, #tpu.memory_space<hbm>>) target(%dma_start3A_53 : memref<2048xi32, #tpu.memory_space<vmem>>) target_semaphore(%arg9 : memref<!tpu.dma_semaphore, #tpu.memory_space<semaphore_mem>>)
    %add3A_55 = arith.constant 1 : i32
    %add3A_56 = arith.addi %select_n3A, %add3A_55 : i32
    %mul3A_57 = arith.constant 4096 : i32
    %mul3A_58 = arith.muli %add3A_56, %mul3A_57 : i32
    %add3A_59 = arith.constant 2048 : i32
    %add3A_60 = arith.addi %mul3A_58, %add3A_59 : i32
    %dma_start3A_61 = arith.constant 2048 : i32
    %dma_start3A_62 = tpu.memref_slice %arg7[%dma_start3A_61] : memref<14336xi32, #tpu.memory_space<vmem>> -> memref<2048xi32, #tpu.memory_space<vmem>>
    %dma_start3A_63 = tpu.memref_slice %arg3[%add3A_60] : memref<819200xi32, #tpu.memory_space<hbm>> -> memref<2048xi32, #tpu.memory_space<hbm>>
    %dma_start3A_64 = arith.constant 2048 : i32
    %dma_start3A_65 = tpu.memref_slice %arg7[%dma_start3A_64] : memref<14336xi32, #tpu.memory_space<vmem>> -> memref<2048xi32, #tpu.memory_space<vmem>>
    %dma_start3A_66 = tpu.memref_slice %arg3[%add3A_60] : memref<819200xi32, #tpu.memory_space<hbm>> -> memref<2048xi32, #tpu.memory_space<hbm>>
    tpu.enqueue_dma source(%dma_start3A_66 : memref<2048xi32, #tpu.memory_space<hbm>>) target(%dma_start3A_65 : memref<2048xi32, #tpu.memory_space<vmem>>) target_semaphore(%arg9 : memref<!tpu.dma_semaphore, #tpu.memory_space<semaphore_mem>>)
    %add3A_67 = arith.constant 2 : i32
    %add3A_68 = arith.addi %select_n3A, %add3A_67 : i32
    %mul3A_69 = arith.constant 4096 : i32
    %mul3A_70 = arith.muli %add3A_68, %mul3A_69 : i32
    %dma_start3A_71 = arith.constant 4096 : i32
    %dma_start3A_72 = tpu.memref_slice %arg6[%dma_start3A_71] : memref<14336xi32, #tpu.memory_space<vmem>> -> memref<2048xi32, #tpu.memory_space<vmem>>
    %dma_start3A_73 = tpu.memref_slice %arg3[%mul3A_70] : memref<819200xi32, #tpu.memory_space<hbm>> -> memref<2048xi32, #tpu.memory_space<hbm>>
    %dma_start3A_74 = arith.constant 4096 : i32
    %dma_start3A_75 = tpu.memref_slice %arg6[%dma_start3A_74] : memref<14336xi32, #tpu.memory_space<vmem>> -> memref<2048xi32, #tpu.memory_space<vmem>>
    %dma_start3A_76 = tpu.memref_slice %arg3[%mul3A_70] : memref<819200xi32, #tpu.memory_space<hbm>> -> memref<2048xi32, #tpu.memory_space<hbm>>
    tpu.enqueue_dma source(%dma_start3A_76 : memref<2048xi32, #tpu.memory_space<hbm>>) target(%dma_start3A_75 : memref<2048xi32, #tpu.memory_space<vmem>>) target_semaphore(%arg9 : memref<!tpu.dma_semaphore, #tpu.memory_space<semaphore_mem>>)
    %add3A_77 = arith.constant 2 : i32
    %add3A_78 = arith.addi %select_n3A, %add3A_77 : i32
    %mul3A_79 = arith.constant 4096 : i32
    %mul3A_80 = arith.muli %add3A_78, %mul3A_79 : i32
    %add3A_81 = arith.constant 2048 : i32
    %add3A_82 = arith.addi %mul3A_80, %add3A_81 : i32
    %dma_start3A_83 = arith.constant 4096 : i32
    %dma_start3A_84 = tpu.memref_slice %arg7[%dma_start3A_83] : memref<14336xi32, #tpu.memory_space<vmem>> -> memref<2048xi32, #tpu.memory_space<vmem>>
    %dma_start3A_85 = tpu.memref_slice %arg3[%add3A_82] : memref<819200xi32, #tpu.memory_space<hbm>> -> memref<2048xi32, #tpu.memory_space<hbm>>
    %dma_start3A_86 = arith.constant 4096 : i32
    %dma_start3A_87 = tpu.memref_slice %arg7[%dma_start3A_86] : memref<14336xi32, #tpu.memory_space<vmem>> -> memref<2048xi32, #tpu.memory_space<vmem>>
    %dma_start3A_88 = tpu.memref_slice %arg3[%add3A_82] : memref<819200xi32, #tpu.memory_space<hbm>> -> memref<2048xi32, #tpu.memory_space<hbm>>
    tpu.enqueue_dma source(%dma_start3A_88 : memref<2048xi32, #tpu.memory_space<hbm>>) target(%dma_start3A_87 : memref<2048xi32, #tpu.memory_space<vmem>>) target_semaphore(%arg9 : memref<!tpu.dma_semaphore, #tpu.memory_space<semaphore_mem>>)
    %add3A_89 = arith.constant 3 : i32
    %add3A_90 = arith.addi %select_n3A, %add3A_89 : i32
    %mul3A_91 = arith.constant 4096 : i32
    %mul3A_92 = arith.muli %add3A_90, %mul3A_91 : i32
    %dma_start3A_93 = arith.constant 6144 : i32
    %dma_start3A_94 = tpu.memref_slice %arg6[%dma_start3A_93] : memref<14336xi32, #tpu.memory_space<vmem>> -> memref<2048xi32, #tpu.memory_space<vmem>>
    %dma_start3A_95 = tpu.memref_slice %arg3[%mul3A_92] : memref<819200xi32, #tpu.memory_space<hbm>> -> memref<2048xi32, #tpu.memory_space<hbm>>
    %dma_start3A_96 = arith.constant 6144 : i32
    %dma_start3A_97 = tpu.memref_slice %arg6[%dma_start3A_96] : memref<14336xi32, #tpu.memory_space<vmem>> -> memref<2048xi32, #tpu.memory_space<vmem>>
    %dma_start3A_98 = tpu.memref_slice %arg3[%mul3A_92] : memref<819200xi32, #tpu.memory_space<hbm>> -> memref<2048xi32, #tpu.memory_space<hbm>>
    tpu.enqueue_dma source(%dma_start3A_98 : memref<2048xi32, #tpu.memory_space<hbm>>) target(%dma_start3A_97 : memref<2048xi32, #tpu.memory_space<vmem>>) target_semaphore(%arg9 : memref<!tpu.dma_semaphore, #tpu.memory_space<semaphore_mem>>)
    %add3A_99 = arith.constant 3 : i32
    %add3A_100 = arith.addi %select_n3A, %add3A_99 : i32
    %mul3A_101 = arith.constant 4096 : i32
    %mul3A_102 = arith.muli %add3A_100, %mul3A_101 : i32
    %add3A_103 = arith.constant 2048 : i32
    %add3A_104 = arith.addi %mul3A_102, %add3A_103 : i32
    %dma_start3A_105 = arith.constant 6144 : i32
    %dma_start3A_106 = tpu.memref_slice %arg7[%dma_start3A_105] : memref<14336xi32, #tpu.memory_space<vmem>> -> memref<2048xi32, #tpu.memory_space<vmem>>
    %dma_start3A_107 = tpu.memref_slice %arg3[%add3A_104] : memref<819200xi32, #tpu.memory_space<hbm>> -> memref<2048xi32, #tpu.memory_space<hbm>>
    %dma_start3A_108 = arith.constant 6144 : i32
    %dma_start3A_109 = tpu.memref_slice %arg7[%dma_start3A_108] : memref<14336xi32, #tpu.memory_space<vmem>> -> memref<2048xi32, #tpu.memory_space<vmem>>
    %dma_start3A_110 = tpu.memref_slice %arg3[%add3A_104] : memref<819200xi32, #tpu.memory_space<hbm>> -> memref<2048xi32, #tpu.memory_space<hbm>>
    tpu.enqueue_dma source(%dma_start3A_110 : memref<2048xi32, #tpu.memory_space<hbm>>) target(%dma_start3A_109 : memref<2048xi32, #tpu.memory_space<vmem>>) target_semaphore(%arg9 : memref<!tpu.dma_semaphore, #tpu.memory_space<semaphore_mem>>)
    %add3A_111 = arith.constant 4 : i32
    %add3A_112 = arith.addi %select_n3A, %add3A_111 : i32
    %mul3A_113 = arith.constant 4096 : i32
    %mul3A_114 = arith.muli %add3A_112, %mul3A_113 : i32
    %dma_start3A_115 = arith.constant 8192 : i32
    %dma_start3A_116 = tpu.memref_slice %arg6[%dma_start3A_115] : memref<14336xi32, #tpu.memory_space<vmem>> -> memref<2048xi32, #tpu.memory_space<vmem>>
    %dma_start3A_117 = tpu.memref_slice %arg3[%mul3A_114] : memref<819200xi32, #tpu.memory_space<hbm>> -> memref<2048xi32, #tpu.memory_space<hbm>>
    %dma_start3A_118 = arith.constant 8192 : i32
    %dma_start3A_119 = tpu.memref_slice %arg6[%dma_start3A_118] : memref<14336xi32, #tpu.memory_space<vmem>> -> memref<2048xi32, #tpu.memory_space<vmem>>
    %dma_start3A_120 = tpu.memref_slice %arg3[%mul3A_114] : memref<819200xi32, #tpu.memory_space<hbm>> -> memref<2048xi32, #tpu.memory_space<hbm>>
    tpu.enqueue_dma source(%dma_start3A_120 : memref<2048xi32, #tpu.memory_space<hbm>>) target(%dma_start3A_119 : memref<2048xi32, #tpu.memory_space<vmem>>) target_semaphore(%arg9 : memref<!tpu.dma_semaphore, #tpu.memory_space<semaphore_mem>>)
    %add3A_121 = arith.constant 4 : i32
    %add3A_122 = arith.addi %select_n3A, %add3A_121 : i32
    %mul3A_123 = arith.constant 4096 : i32
    %mul3A_124 = arith.muli %add3A_122, %mul3A_123 : i32
    %add3A_125 = arith.constant 2048 : i32
    %add3A_126 = arith.addi %mul3A_124, %add3A_125 : i32
    %dma_start3A_127 = arith.constant 8192 : i32
    %dma_start3A_128 = tpu.memref_slice %arg7[%dma_start3A_127] : memref<14336xi32, #tpu.memory_space<vmem>> -> memref<2048xi32, #tpu.memory_space<vmem>>
    %dma_start3A_129 = tpu.memref_slice %arg3[%add3A_126] : memref<819200xi32, #tpu.memory_space<hbm>> -> memref<2048xi32, #tpu.memory_space<hbm>>
    %dma_start3A_130 = arith.constant 8192 : i32
    %dma_start3A_131 = tpu.memref_slice %arg7[%dma_start3A_130] : memref<14336xi32, #tpu.memory_space<vmem>> -> memref<2048xi32, #tpu.memory_space<vmem>>
    %dma_start3A_132 = tpu.memref_slice %arg3[%add3A_126] : memref<819200xi32, #tpu.memory_space<hbm>> -> memref<2048xi32, #tpu.memory_space<hbm>>
    tpu.enqueue_dma source(%dma_start3A_132 : memref<2048xi32, #tpu.memory_space<hbm>>) target(%dma_start3A_131 : memref<2048xi32, #tpu.memory_space<vmem>>) target_semaphore(%arg9 : memref<!tpu.dma_semaphore, #tpu.memory_space<semaphore_mem>>)
    %add3A_133 = arith.constant 5 : i32
    %add3A_134 = arith.addi %select_n3A, %add3A_133 : i32
    %mul3A_135 = arith.constant 4096 : i32
    %mul3A_136 = arith.muli %add3A_134, %mul3A_135 : i32
    %dma_start3A_137 = arith.constant 10240 : i32
    %dma_start3A_138 = tpu.memref_slice %arg6[%dma_start3A_137] : memref<14336xi32, #tpu.memory_space<vmem>> -> memref<2048xi32, #tpu.memory_space<vmem>>
    %dma_start3A_139 = tpu.memref_slice %arg3[%mul3A_136] : memref<819200xi32, #tpu.memory_space<hbm>> -> memref<2048xi32, #tpu.memory_space<hbm>>
    %dma_start3A_140 = arith.constant 10240 : i32
    %dma_start3A_141 = tpu.memref_slice %arg6[%dma_start3A_140] : memref<14336xi32, #tpu.memory_space<vmem>> -> memref<2048xi32, #tpu.memory_space<vmem>>
    %dma_start3A_142 = tpu.memref_slice %arg3[%mul3A_136] : memref<819200xi32, #tpu.memory_space<hbm>> -> memref<2048xi32, #tpu.memory_space<hbm>>
    tpu.enqueue_dma source(%dma_start3A_142 : memref<2048xi32, #tpu.memory_space<hbm>>) target(%dma_start3A_141 : memref<2048xi32, #tpu.memory_space<vmem>>) target_semaphore(%arg9 : memref<!tpu.dma_semaphore, #tpu.memory_space<semaphore_mem>>)
    %add3A_143 = arith.constant 5 : i32
    %add3A_144 = arith.addi %select_n3A, %add3A_143 : i32
    %mul3A_145 = arith.constant 4096 : i32
    %mul3A_146 = arith.muli %add3A_144, %mul3A_145 : i32
    %add3A_147 = arith.constant 2048 : i32
    %add3A_148 = arith.addi %mul3A_146, %add3A_147 : i32
    %dma_start3A_149 = arith.constant 10240 : i32
    %dma_start3A_150 = tpu.memref_slice %arg7[%dma_start3A_149] : memref<14336xi32, #tpu.memory_space<vmem>> -> memref<2048xi32, #tpu.memory_space<vmem>>
    %dma_start3A_151 = tpu.memref_slice %arg3[%add3A_148] : memref<819200xi32, #tpu.memory_space<hbm>> -> memref<2048xi32, #tpu.memory_space<hbm>>
    %dma_start3A_152 = arith.constant 10240 : i32
    %dma_start3A_153 = tpu.memref_slice %arg7[%dma_start3A_152] : memref<14336xi32, #tpu.memory_space<vmem>> -> memref<2048xi32, #tpu.memory_space<vmem>>
    %dma_start3A_154 = tpu.memref_slice %arg3[%add3A_148] : memref<819200xi32, #tpu.memory_space<hbm>> -> memref<2048xi32, #tpu.memory_space<hbm>>
    tpu.enqueue_dma source(%dma_start3A_154 : memref<2048xi32, #tpu.memory_space<hbm>>) target(%dma_start3A_153 : memref<2048xi32, #tpu.memory_space<vmem>>) target_semaphore(%arg9 : memref<!tpu.dma_semaphore, #tpu.memory_space<semaphore_mem>>)
    %add3A_155 = arith.constant 6 : i32
    %add3A_156 = arith.addi %select_n3A, %add3A_155 : i32
    %mul3A_157 = arith.constant 4096 : i32
    %mul3A_158 = arith.muli %add3A_156, %mul3A_157 : i32
    %dma_start3A_159 = arith.constant 12288 : i32
    %dma_start3A_160 = tpu.memref_slice %arg6[%dma_start3A_159] : memref<14336xi32, #tpu.memory_space<vmem>> -> memref<2048xi32, #tpu.memory_space<vmem>>
    %dma_start3A_161 = tpu.memref_slice %arg3[%mul3A_158] : memref<819200xi32, #tpu.memory_space<hbm>> -> memref<2048xi32, #tpu.memory_space<hbm>>
    %dma_start3A_162 = arith.constant 12288 : i32
    %dma_start3A_163 = tpu.memref_slice %arg6[%dma_start3A_162] : memref<14336xi32, #tpu.memory_space<vmem>> -> memref<2048xi32, #tpu.memory_space<vmem>>
    %dma_start3A_164 = tpu.memref_slice %arg3[%mul3A_158] : memref<819200xi32, #tpu.memory_space<hbm>> -> memref<2048xi32, #tpu.memory_space<hbm>>
    tpu.enqueue_dma source(%dma_start3A_164 : memref<2048xi32, #tpu.memory_space<hbm>>) target(%dma_start3A_163 : memref<2048xi32, #tpu.memory_space<vmem>>) target_semaphore(%arg9 : memref<!tpu.dma_semaphore, #tpu.memory_space<semaphore_mem>>)
    %add3A_165 = arith.constant 6 : i32
    %add3A_166 = arith.addi %select_n3A, %add3A_165 : i32
    %mul3A_167 = arith.constant 4096 : i32
    %mul3A_168 = arith.muli %add3A_166, %mul3A_167 : i32
    %add3A_169 = arith.constant 2048 : i32
    %add3A_170 = arith.addi %mul3A_168, %add3A_169 : i32
    %dma_start3A_171 = arith.constant 12288 : i32
    %dma_start3A_172 = tpu.memref_slice %arg7[%dma_start3A_171] : memref<14336xi32, #tpu.memory_space<vmem>> -> memref<2048xi32, #tpu.memory_space<vmem>>
    %dma_start3A_173 = tpu.memref_slice %arg3[%add3A_170] : memref<819200xi32, #tpu.memory_space<hbm>> -> memref<2048xi32, #tpu.memory_space<hbm>>
    %dma_start3A_174 = arith.constant 12288 : i32
    %dma_start3A_175 = tpu.memref_slice %arg7[%dma_start3A_174] : memref<14336xi32, #tpu.memory_space<vmem>> -> memref<2048xi32, #tpu.memory_space<vmem>>
    %dma_start3A_176 = tpu.memref_slice %arg3[%add3A_170] : memref<819200xi32, #tpu.memory_space<hbm>> -> memref<2048xi32, #tpu.memory_space<hbm>>
    tpu.enqueue_dma source(%dma_start3A_176 : memref<2048xi32, #tpu.memory_space<hbm>>) target(%dma_start3A_175 : memref<2048xi32, #tpu.memory_space<vmem>>) target_semaphore(%arg9 : memref<!tpu.dma_semaphore, #tpu.memory_space<semaphore_mem>>)
    %dma_wait3A = arith.constant 0 : i32
    %dma_wait3A_177 = tpu.memref_slice %arg3[%dma_wait3A] : memref<819200xi32, #tpu.memory_space<hbm>> -> memref<14336xi32, #tpu.memory_space<hbm>>
    %dma_wait3A_178 = arith.constant 0 : i32
    %dma_wait3A_179 = tpu.memref_slice %arg3[%dma_wait3A_178] : memref<819200xi32, #tpu.memory_space<hbm>> -> memref<14336xi32, #tpu.memory_space<hbm>>
    tpu.wait_dma2 semaphore(%arg9 : memref<!tpu.dma_semaphore, #tpu.memory_space<semaphore_mem>>) src(%dma_wait3A_179 : memref<14336xi32, #tpu.memory_space<hbm>>) dst(%arg6 : memref<14336xi32, #tpu.memory_space<vmem>>)
    %dma_wait3A_180 = arith.constant 0 : i32
    %dma_wait3A_181 = tpu.memref_slice %arg3[%dma_wait3A_180] : memref<819200xi32, #tpu.memory_space<hbm>> -> memref<14336xi32, #tpu.memory_space<hbm>>
    %dma_wait3A_182 = arith.constant 0 : i32
    %dma_wait3A_183 = tpu.memref_slice %arg3[%dma_wait3A_182] : memref<819200xi32, #tpu.memory_space<hbm>> -> memref<14336xi32, #tpu.memory_space<hbm>>
    tpu.wait_dma2 semaphore(%arg9 : memref<!tpu.dma_semaphore, #tpu.memory_space<semaphore_mem>>) src(%dma_wait3A_183 : memref<14336xi32, #tpu.memory_space<hbm>>) dst(%arg7 : memref<14336xi32, #tpu.memory_space<vmem>>)
    %iota3A = tpu.iota {dimensions = array<i32: 0>} : vector<16xi32>
    %scan3A = arith.constant 0 : i32
    %scan3A_184 = arith.constant 800 : i32
    %scan3A_185 = arith.addi %scan3A, %scan3A_184 : i32
    %scan3A_186 = arith.constant 1 : i32
    scf.for %scan3A_284 = %scan3A to %scan3A_185 step %scan3A_186  : i32 {
      %mul3A_285 = arith.constant 1 : i32
      %mul3A_286 = arith.muli %scan3A_284, %mul3A_285 : i32
      %add3A_287 = arith.constant 0 : i32
      %add3A_288 = arith.addi %add3A_287, %mul3A_286 : i32
      %mul3A_289 = arith.constant 16 : i32
      %mul3A_290 = arith.muli %add3A_288, %mul3A_289 : i32
      %add3A_291 = arith.addi %sub3A_23, %mul3A_290 : i32
      %get3A = arith.index_cast %add3A_291 : i32 to index
      %get3A_292 = tpu.vector_load %arg6[%get3A] {strides = array<i32>} : memref<14336xi32, #tpu.memory_space<vmem>>, vector<16xi32>,
      %mul3A_293 = arith.constant 16 : i32
      %mul3A_294 = arith.muli %add3A_288, %mul3A_293 : i32
      %add3A_295 = arith.addi %sub3A_23, %mul3A_294 : i32
      %get3A_296 = arith.index_cast %add3A_295 : i32 to index
      %get3A_297 = tpu.vector_load %arg7[%get3A_296] {strides = array<i32>} : memref<14336xi32, #tpu.memory_space<vmem>>, vector<16xi32>,
      %lt3A = arith.constant 507904 : i32
      %lt3A_298 = vector.broadcast %lt3A : i32 to vector<16xi32>
      %lt3A_299 = arith.cmpi slt, %get3A_292, %lt3A_298 : vector<16xi32>
      %mul3A_300 = arith.constant 2 : i32
      %mul3A_301 = vector.broadcast %mul3A_300 : i32 to vector<16xi32>
      %mul3A_302 = arith.muli %mul3A_301, %get3A_292 : vector<16xi32>
      %mul3A_303 = arith.constant 2 : i32
      %mul3A_304 = vector.broadcast %mul3A_303 : i32 to vector<16xi32>
      %mul3A_305 = arith.muli %mul3A_304, %get3A_292 : vector<16xi32>
      %sub3A_306 = arith.constant 1015807 : i32
      %sub3A_307 = vector.broadcast %sub3A_306 : i32 to vector<16xi32>
      %sub3A_308 = arith.subi %mul3A_305, %sub3A_307 : vector<16xi32>
      %select_n3A_309 = arith.select %lt3A_299, %mul3A_302, %sub3A_308 : vector<16xi1>, vector<16xi32>
      %lt3A_310 = arith.constant 507904 : i32
      %lt3A_311 = vector.broadcast %lt3A_310 : i32 to vector<16xi32>
      %lt3A_312 = arith.cmpi slt, %get3A_297, %lt3A_311 : vector<16xi32>
      %mul3A_313 = arith.constant 2 : i32
      %mul3A_314 = vector.broadcast %mul3A_313 : i32 to vector<16xi32>
      %mul3A_315 = arith.muli %mul3A_314, %get3A_297 : vector<16xi32>
      %mul3A_316 = arith.constant 2 : i32
      %mul3A_317 = vector.broadcast %mul3A_316 : i32 to vector<16xi32>
      %mul3A_318 = arith.muli %mul3A_317, %get3A_297 : vector<16xi32>
      %sub3A_319 = arith.constant 1015807 : i32
      %sub3A_320 = vector.broadcast %sub3A_319 : i32 to vector<16xi32>
      %sub3A_321 = arith.subi %mul3A_318, %sub3A_320 : vector<16xi32>
      %select_n3A_322 = arith.select %lt3A_312, %mul3A_315, %sub3A_321 : vector<16xi1>, vector<16xi32>
      %mul3A_323 = arith.constant 32 : i32
      %mul3A_324 = arith.muli %mul3A_323, %add3A_288 : i32
      %mul3A_325 = arith.constant 2 : i32
      %mul3A_326 = vector.broadcast %mul3A_325 : i32 to vector<16xi32>
      %mul3A_327 = arith.muli %mul3A_326, %iota3A : vector<16xi32>
      %add3A_328 = vector.broadcast %mul3A_324 : i32 to vector<16xi32>
      %add3A_329 = arith.addi %add3A_328, %mul3A_327 : vector<16xi32>
      tpu.vector_store_idx %arg5[%add3A_329], %select_n3A_309 : memref<25600xi32, #tpu.memory_space<vmem>>[vector<16xi32>], vector<16xi32>,
      %add3A_330 = arith.constant 1 : i32
      %add3A_331 = vector.broadcast %add3A_330 : i32 to vector<16xi32>
      %add3A_332 = arith.addi %add3A_329, %add3A_331 : vector<16xi32>
      tpu.vector_store_idx %arg5[%add3A_332], %select_n3A_322 : memref<25600xi32, #tpu.memory_space<vmem>>[vector<16xi32>], vector<16xi32>,
    }
    %scan3A_187 = arith.constant 800 : i32
    %dma_start3A_188 = arith.constant 0 : i32
    %dma_start3A_189 = arith.constant 0 : i32
    %dma_start3A_190 = arith.constant 0 : i32
    %dma_start3A_191 = tpu.memref_slice %arg8[%dma_start3A_188, %dma_start3A_189, %dma_start3A_190] : memref<4x256x64xf32, #tpu.memory_space<vmem>> -> memref<1x256x64xf32, #tpu.memory_space<vmem>>
    %dma_start3A_192 = tpu.memref_squeeze %dma_start3A_191 : memref<1x256x64xf32, #tpu.memory_space<vmem>> -> memref<256x64xf32, #tpu.memory_space<vmem>>
    %dma_start3A_193 = arith.constant 0 : i32
    %dma_start3A_194 = arith.constant 0 : i32
    %dma_start3A_195 = tpu.memref_slice %dma_start3A_192[%dma_start3A_193, %dma_start3A_194] : memref<256x64xf32, #tpu.memory_space<vmem>> -> memref<128x64xf32, #tpu.memory_space<vmem>>
    %dma_start3A_196 = arith.constant 0 : i32
    %dma_start3A_197 = tpu.memref_slice %arg5[%dma_start3A_196] : memref<25600xi32, #tpu.memory_space<vmem>> -> memref<128xi32, #tpu.memory_space<vmem>>
    %dma_start3A_198 = arith.constant 0 : i32
    %dma_start3A_199 = arith.constant 0 : i32
    %dma_start3A_200 = tpu.memref_slice %arg2[%dma_start3A_198, %dma_start3A_199] : memref<1015808x64xf32, #tpu.memory_space<hbm>> -> memref<1015808x64xf32, #tpu.memory_space<hbm>>
    tpu.enqueue_indirect_dma source(%dma_start3A_200 : memref<1015808x64xf32, #tpu.memory_space<hbm>>) target(%dma_start3A_195 : memref<128x64xf32, #tpu.memory_space<vmem>>) offsets(%dma_start3A_197 : memref<128xi32, #tpu.memory_space<vmem>>) semaphore(%arg10 : memref<!tpu.dma_semaphore, #tpu.memory_space<semaphore_mem>>)
    %dma_start3A_201 = arith.constant 0 : i32
    %dma_start3A_202 = arith.constant 0 : i32
    %dma_start3A_203 = arith.constant 0 : i32
    %dma_start3A_204 = tpu.memref_slice %arg8[%dma_start3A_201, %dma_start3A_202, %dma_start3A_203] : memref<4x256x64xf32, #tpu.memory_space<vmem>> -> memref<1x256x64xf32, #tpu.memory_space<vmem>>
    %dma_start3A_205 = tpu.memref_squeeze %dma_start3A_204 : memref<1x256x64xf32, #tpu.memory_space<vmem>> -> memref<256x64xf32, #tpu.memory_space<vmem>>
    %dma_start3A_206 = arith.constant 128 : i32
    %dma_start3A_207 = arith.constant 0 : i32
    %dma_start3A_208 = tpu.memref_slice %dma_start3A_205[%dma_start3A_206, %dma_start3A_207] : memref<256x64xf32, #tpu.memory_space<vmem>> -> memref<128x64xf32, #tpu.memory_space<vmem>>
    %dma_start3A_209 = arith.constant 128 : i32
    %dma_start3A_210 = tpu.memref_slice %arg5[%dma_start3A_209] : memref<25600xi32, #tpu.memory_space<vmem>> -> memref<128xi32, #tpu.memory_space<vmem>>
    %dma_start3A_211 = arith.constant 0 : i32
    %dma_start3A_212 = arith.constant 0 : i32
    %dma_start3A_213 = tpu.memref_slice %arg2[%dma_start3A_211, %dma_start3A_212] : memref<1015808x64xf32, #tpu.memory_space<hbm>> -> memref<1015808x64xf32, #tpu.memory_space<hbm>>
    tpu.enqueue_indirect_dma source(%dma_start3A_213 : memref<1015808x64xf32, #tpu.memory_space<hbm>>) target(%dma_start3A_208 : memref<128x64xf32, #tpu.memory_space<vmem>>) offsets(%dma_start3A_210 : memref<128xi32, #tpu.memory_space<vmem>>) semaphore(%arg10 : memref<!tpu.dma_semaphore, #tpu.memory_space<semaphore_mem>>)
    %dma_start3A_214 = arith.constant 1 : i32
    %dma_start3A_215 = arith.constant 0 : i32
    %dma_start3A_216 = arith.constant 0 : i32
    %dma_start3A_217 = tpu.memref_slice %arg8[%dma_start3A_214, %dma_start3A_215, %dma_start3A_216] : memref<4x256x64xf32, #tpu.memory_space<vmem>> -> memref<1x256x64xf32, #tpu.memory_space<vmem>>
    %dma_start3A_218 = tpu.memref_squeeze %dma_start3A_217 : memref<1x256x64xf32, #tpu.memory_space<vmem>> -> memref<256x64xf32, #tpu.memory_space<vmem>>
    %dma_start3A_219 = arith.constant 0 : i32
    %dma_start3A_220 = arith.constant 0 : i32
    %dma_start3A_221 = tpu.memref_slice %dma_start3A_218[%dma_start3A_219, %dma_start3A_220] : memref<256x64xf32, #tpu.memory_space<vmem>> -> memref<128x64xf32, #tpu.memory_space<vmem>>
    %dma_start3A_222 = arith.constant 256 : i32
    %dma_start3A_223 = tpu.memref_slice %arg5[%dma_start3A_222] : memref<25600xi32, #tpu.memory_space<vmem>> -> memref<128xi32, #tpu.memory_space<vmem>>
    %dma_start3A_224 = arith.constant 0 : i32
    %dma_start3A_225 = arith.constant 0 : i32
    %dma_start3A_226 = tpu.memref_slice %arg2[%dma_start3A_224, %dma_start3A_225] : memref<1015808x64xf32, #tpu.memory_space<hbm>> -> memref<1015808x64xf32, #tpu.memory_space<hbm>>
    tpu.enqueue_indirect_dma source(%dma_start3A_226 : memref<1015808x64xf32, #tpu.memory_space<hbm>>) target(%dma_start3A_221 : memref<128x64xf32, #tpu.memory_space<vmem>>) offsets(%dma_start3A_223 : memref<128xi32, #tpu.memory_space<vmem>>) semaphore(%arg11 : memref<!tpu.dma_semaphore, #tpu.memory_space<semaphore_mem>>)
    %dma_start3A_227 = arith.constant 1 : i32
    %dma_start3A_228 = arith.constant 0 : i32
    %dma_start3A_229 = arith.constant 0 : i32
    %dma_start3A_230 = tpu.memref_slice %arg8[%dma_start3A_227, %dma_start3A_228, %dma_start3A_229] : memref<4x256x64xf32, #tpu.memory_space<vmem>> -> memref<1x256x64xf32, #tpu.memory_space<vmem>>
    %dma_start3A_231 = tpu.memref_squeeze %dma_start3A_230 : memref<1x256x64xf32, #tpu.memory_space<vmem>> -> memref<256x64xf32, #tpu.memory_space<vmem>>
    %dma_start3A_232 = arith.constant 128 : i32
    %dma_start3A_233 = arith.constant 0 : i32
    %dma_start3A_234 = tpu.memref_slice %dma_start3A_231[%dma_start3A_232, %dma_start3A_233] : memref<256x64xf32, #tpu.memory_space<vmem>> -> memref<128x64xf32, #tpu.memory_space<vmem>>
    %dma_start3A_235 = arith.constant 384 : i32
    %dma_start3A_236 = tpu.memref_slice %arg5[%dma_start3A_235] : memref<25600xi32, #tpu.memory_space<vmem>> -> memref<128xi32, #tpu.memory_space<vmem>>
    %dma_start3A_237 = arith.constant 0 : i32
    %dma_start3A_238 = arith.constant 0 : i32
    %dma_start3A_239 = tpu.memref_slice %arg2[%dma_start3A_237, %dma_start3A_238] : memref<1015808x64xf32, #tpu.memory_space<hbm>> -> memref<1015808x64xf32, #tpu.memory_space<hbm>>
    tpu.enqueue_indirect_dma source(%dma_start3A_239 : memref<1015808x64xf32, #tpu.memory_space<hbm>>) target(%dma_start3A_234 : memref<128x64xf32, #tpu.memory_space<vmem>>) offsets(%dma_start3A_236 : memref<128xi32, #tpu.memory_space<vmem>>) semaphore(%arg11 : memref<!tpu.dma_semaphore, #tpu.memory_space<semaphore_mem>>)
    %dma_start3A_240 = arith.constant 2 : i32
    %dma_start3A_241 = arith.constant 0 : i32
    %dma_start3A_242 = arith.constant 0 : i32
    %dma_start3A_243 = tpu.memref_slice %arg8[%dma_start3A_240, %dma_start3A_241, %dma_start3A_242] : memref<4x256x64xf32, #tpu.memory_space<vmem>> -> memref<1x256x64xf32, #tpu.memory_space<vmem>>
    %dma_start3A_244 = tpu.memref_squeeze %dma_start3A_243 : memref<1x256x64xf32, #tpu.memory_space<vmem>> -> memref<256x64xf32, #tpu.memory_space<vmem>>
    %dma_start3A_245 = arith.constant 0 : i32
    %dma_start3A_246 = arith.constant 0 : i32
    %dma_start3A_247 = tpu.memref_slice %dma_start3A_244[%dma_start3A_245, %dma_start3A_246] : memref<256x64xf32, #tpu.memory_space<vmem>> -> memref<128x64xf32, #tpu.memory_space<vmem>>
    %dma_start3A_248 = arith.constant 512 : i32
    %dma_start3A_249 = tpu.memref_slice %arg5[%dma_start3A_248] : memref<25600xi32, #tpu.memory_space<vmem>> -> memref<128xi32, #tpu.memory_space<vmem>>
    %dma_start3A_250 = arith.constant 0 : i32
    %dma_start3A_251 = arith.constant 0 : i32
    %dma_start3A_252 = tpu.memref_slice %arg2[%dma_start3A_250, %dma_start3A_251] : memref<1015808x64xf32, #tpu.memory_space<hbm>> -> memref<1015808x64xf32, #tpu.memory_space<hbm>>
    tpu.enqueue_indirect_dma source(%dma_start3A_252 : memref<1015808x64xf32, #tpu.memory_space<hbm>>) target(%dma_start3A_247 : memref<128x64xf32, #tpu.memory_space<vmem>>) offsets(%dma_start3A_249 : memref<128xi32, #tpu.memory_space<vmem>>) semaphore(%arg12 : memref<!tpu.dma_semaphore, #tpu.memory_space<semaphore_mem>>)
    %dma_start3A_253 = arith.constant 2 : i32
    %dma_start3A_254 = arith.constant 0 : i32
    %dma_start3A_255 = arith.constant 0 : i32
    %dma_start3A_256 = tpu.memref_slice %arg8[%dma_start3A_253, %dma_start3A_254, %dma_start3A_255] : memref<4x256x64xf32, #tpu.memory_space<vmem>> -> memref<1x256x64xf32, #tpu.memory_space<vmem>>
    %dma_start3A_257 = tpu.memref_squeeze %dma_start3A_256 : memref<1x256x64xf32, #tpu.memory_space<vmem>> -> memref<256x64xf32, #tpu.memory_space<vmem>>
    %dma_start3A_258 = arith.constant 128 : i32
    %dma_start3A_259 = arith.constant 0 : i32
    %dma_start3A_260 = tpu.memref_slice %dma_start3A_257[%dma_start3A_258, %dma_start3A_259] : memref<256x64xf32, #tpu.memory_space<vmem>> -> memref<128x64xf32, #tpu.memory_space<vmem>>
    %dma_start3A_261 = arith.constant 640 : i32
    %dma_start3A_262 = tpu.memref_slice %arg5[%dma_start3A_261] : memref<25600xi32, #tpu.memory_space<vmem>> -> memref<128xi32, #tpu.memory_space<vmem>>
    %dma_start3A_263 = arith.constant 0 : i32
    %dma_start3A_264 = arith.constant 0 : i32
    %dma_start3A_265 = tpu.memref_slice %arg2[%dma_start3A_263, %dma_start3A_264] : memref<1015808x64xf32, #tpu.memory_space<hbm>> -> memref<1015808x64xf32, #tpu.memory_space<hbm>>
    tpu.enqueue_indirect_dma source(%dma_start3A_265 : memref<1015808x64xf32, #tpu.memory_space<hbm>>) target(%dma_start3A_260 : memref<128x64xf32, #tpu.memory_space<vmem>>) offsets(%dma_start3A_262 : memref<128xi32, #tpu.memory_space<vmem>>) semaphore(%arg12 : memref<!tpu.dma_semaphore, #tpu.memory_space<semaphore_mem>>)
    %scan3A_266 = arith.constant 0 : i32
    %scan3A_267 = arith.constant 25 : i32
    %scan3A_268 = arith.addi %scan3A_266, %scan3A_267 : i32
    %scan3A_269 = arith.constant 1 : i32
    scf.for %scan3A_284 = %scan3A_266 to %scan3A_268 step %scan3A_269  : i32 {
      %mul3A_285 = arith.constant 1 : i32
      %mul3A_286 = arith.muli %scan3A_284, %mul3A_285 : i32
      %add3A_287 = arith.constant 0 : i32
      %add3A_288 = arith.addi %add3A_287, %mul3A_286 : i32
      %mul3A_289 = arith.constant 4 : i32
      %mul3A_290 = arith.muli %add3A_288, %mul3A_289 : i32
      %add3A_291 = arith.constant 0 : i32
      %add3A_292 = arith.addi %mul3A_290, %add3A_291 : i32
      %add3A_293 = arith.constant 4 : i32
      %add3A_294 = arith.addi %add3A_292, %add3A_293 : i32
      %sub3A_295 = arith.constant 1 : i32
      %sub3A_296 = arith.subi %add3A_294, %sub3A_295 : i32
      %ge3A = arith.constant 1 : i32
      %ge3A_297 = arith.cmpi sge, %add3A_288, %ge3A : i32
      %convert_element_type3A = arith.extui %ge3A_297 : i1 to i32
      %cond3A = arith.constant 0 : i32
      %cond3A_298 = arith.cmpi ne, %convert_element_type3A, %cond3A : i32
      scf.if %cond3A_298 {
        %dma_wait3A_532 = arith.constant 3 : i32
        %dma_wait3A_533 = arith.constant 0 : i32
        %dma_wait3A_534 = arith.constant 0 : i32
        %dma_wait3A_535 = tpu.memref_slice %arg8[%dma_wait3A_532, %dma_wait3A_533, %dma_wait3A_534] : memref<4x256x64xf32, #tpu.memory_space<vmem>> -> memref<1x256x64xf32, #tpu.memory_space<vmem>>
        %dma_wait3A_536 = tpu.memref_squeeze %dma_wait3A_535 : memref<1x256x64xf32, #tpu.memory_space<vmem>> -> memref<256x64xf32, #tpu.memory_space<vmem>>
        %dma_wait3A_537 = arith.constant 0 : i32
        %dma_wait3A_538 = tpu.memref_slice %arg4[%mul3A_2, %dma_wait3A_537] : memref<819200x64xf32, #tpu.memory_space<hbm>> -> memref<256x64xf32, #tpu.memory_space<hbm>>
        %dma_wait3A_539 = arith.constant 0 : i32
        %dma_wait3A_540 = tpu.memref_slice %arg4[%mul3A_2, %dma_wait3A_539] : memref<819200x64xf32, #tpu.memory_space<hbm>> -> memref<256x64xf32, #tpu.memory_space<hbm>>
        %dma_wait3A_541 = arith.constant 0 : i32
        %dma_wait3A_542 = arith.constant 0 : i32
        %dma_wait3A_543 = tpu.memref_slice %arg8[%dma_wait3A_532, %dma_wait3A_541, %dma_wait3A_542] : memref<4x256x64xf32, #tpu.memory_space<vmem>> -> memref<1x256x64xf32, #tpu.memory_space<vmem>>
        %dma_wait3A_544 = tpu.memref_squeeze %dma_wait3A_543 : memref<1x256x64xf32, #tpu.memory_space<vmem>> -> memref<256x64xf32, #tpu.memory_space<vmem>>
        tpu.wait_dma2 semaphore(%arg17 : memref<!tpu.dma_semaphore, #tpu.memory_space<semaphore_mem>>) src(%dma_wait3A_544 : memref<256x64xf32, #tpu.memory_space<vmem>>) dst(%dma_wait3A_540 : memref<256x64xf32, #tpu.memory_space<hbm>>)
      } else {
      }
      %mul3A_299 = arith.constant 256 : i32
      %mul3A_300 = arith.muli %sub3A_296, %mul3A_299 : i32
      %add3A_301 = arith.constant 0 : i32
      %add3A_302 = arith.addi %mul3A_300, %add3A_301 : i32
      %dma_start3A_303 = arith.constant 3 : i32
      %dma_start3A_304 = arith.constant 0 : i32
      %dma_start3A_305 = arith.constant 0 : i32
      %dma_start3A_306 = tpu.memref_slice %arg8[%dma_start3A_303, %dma_start3A_304, %dma_start3A_305] : memref<4x256x64xf32, #tpu.memory_space<vmem>> -> memref<1x256x64xf32, #tpu.memory_space<vmem>>
      %dma_start3A_307 = tpu.memref_squeeze %dma_start3A_306 : memref<1x256x64xf32, #tpu.memory_space<vmem>> -> memref<256x64xf32, #tpu.memory_space<vmem>>
      %dma_start3A_308 = arith.constant 0 : i32
      %dma_start3A_309 = arith.constant 0 : i32
      %dma_start3A_310 = tpu.memref_slice %dma_start3A_307[%dma_start3A_308, %dma_start3A_309] : memref<256x64xf32, #tpu.memory_space<vmem>> -> memref<128x64xf32, #tpu.memory_space<vmem>>
      %dma_start3A_311 = tpu.memref_slice %arg5[%add3A_302] : memref<25600xi32, #tpu.memory_space<vmem>> -> memref<128xi32, #tpu.memory_space<vmem>>
      %dma_start3A_312 = arith.constant 0 : i32
      %dma_start3A_313 = arith.constant 0 : i32
      %dma_start3A_314 = tpu.memref_slice %arg2[%dma_start3A_312, %dma_start3A_313] : memref<1015808x64xf32, #tpu.memory_space<hbm>> -> memref<1015808x64xf32, #tpu.memory_space<hbm>>
      tpu.enqueue_indirect_dma source(%dma_start3A_314 : memref<1015808x64xf32, #tpu.memory_space<hbm>>) target(%dma_start3A_310 : memref<128x64xf32, #tpu.memory_space<vmem>>) offsets(%dma_start3A_311 : memref<128xi32, #tpu.memory_space<vmem>>) semaphore(%arg13 : memref<!tpu.dma_semaphore, #tpu.memory_space<semaphore_mem>>)
      %mul3A_315 = arith.constant 256 : i32
      %mul3A_316 = arith.muli %sub3A_296, %mul3A_315 : i32
      %add3A_317 = arith.constant 128 : i32
      %add3A_318 = arith.addi %mul3A_316, %add3A_317 : i32
      %dma_start3A_319 = arith.constant 3 : i32
      %dma_start3A_320 = arith.constant 0 : i32
      %dma_start3A_321 = arith.constant 0 : i32
      %dma_start3A_322 = tpu.memref_slice %arg8[%dma_start3A_319, %dma_start3A_320, %dma_start3A_321] : memref<4x256x64xf32, #tpu.memory_space<vmem>> -> memref<1x256x64xf32, #tpu.memory_space<vmem>>
      %dma_start3A_323 = tpu.memref_squeeze %dma_start3A_322 : memref<1x256x64xf32, #tpu.memory_space<vmem>> -> memref<256x64xf32, #tpu.memory_space<vmem>>
      %dma_start3A_324 = arith.constant 128 : i32
      %dma_start3A_325 = arith.constant 0 : i32
      %dma_start3A_326 = tpu.memref_slice %dma_start3A_323[%dma_start3A_324, %dma_start3A_325] : memref<256x64xf32, #tpu.memory_space<vmem>> -> memref<128x64xf32, #tpu.memory_space<vmem>>
      %dma_start3A_327 = tpu.memref_slice %arg5[%add3A_318] : memref<25600xi32, #tpu.memory_space<vmem>> -> memref<128xi32, #tpu.memory_space<vmem>>
      %dma_start3A_328 = arith.constant 0 : i32
      %dma_start3A_329 = arith.constant 0 : i32
      %dma_start3A_330 = tpu.memref_slice %arg2[%dma_start3A_328, %dma_start3A_329] : memref<1015808x64xf32, #tpu.memory_space<hbm>> -> memref<1015808x64xf32, #tpu.memory_space<hbm>>
      tpu.enqueue_indirect_dma source(%dma_start3A_330 : memref<1015808x64xf32, #tpu.memory_space<hbm>>) target(%dma_start3A_326 : memref<128x64xf32, #tpu.memory_space<vmem>>) offsets(%dma_start3A_327 : memref<128xi32, #tpu.memory_space<vmem>>) semaphore(%arg13 : memref<!tpu.dma_semaphore, #tpu.memory_space<semaphore_mem>>)
      %dma_wait3A_331 = arith.constant 0 : i32
      %dma_wait3A_332 = arith.constant 0 : i32
      %dma_wait3A_333 = arith.constant 0 : i32
      %dma_wait3A_334 = tpu.memref_slice %arg8[%dma_wait3A_331, %dma_wait3A_332, %dma_wait3A_333] : memref<4x256x64xf32, #tpu.memory_space<vmem>> -> memref<1x256x64xf32, #tpu.memory_space<vmem>>
      %dma_wait3A_335 = tpu.memref_squeeze %dma_wait3A_334 : memref<1x256x64xf32, #tpu.memory_space<vmem>> -> memref<256x64xf32, #tpu.memory_space<vmem>>
      %dma_wait3A_336 = arith.constant 0 : i32
      %dma_wait3A_337 = arith.constant 0 : i32
      %dma_wait3A_338 = tpu.memref_slice %arg2[%dma_wait3A_336, %dma_wait3A_337] : memref<1015808x64xf32, #tpu.memory_space<hbm>> -> memref<256x64xf32, #tpu.memory_space<hbm>>
      %dma_wait3A_339 = arith.constant 0 : i32
      %dma_wait3A_340 = arith.constant 0 : i32
      %dma_wait3A_341 = tpu.memref_slice %arg8[%dma_wait3A_331, %dma_wait3A_339, %dma_wait3A_340] : memref<4x256x64xf32, #tpu.memory_space<vmem>> -> memref<1x256x64xf32, #tpu.memory_space<vmem>>
      %dma_wait3A_342 = tpu.memref_squeeze %dma_wait3A_341 : memref<1x256x64xf32, #tpu.memory_space<vmem>> -> memref<256x64xf32, #tpu.memory_space<vmem>>
      %dma_wait3A_343 = arith.constant 0 : i32
      %dma_wait3A_344 = arith.constant 0 : i32
      %dma_wait3A_345 = tpu.memref_slice %arg2[%dma_wait3A_343, %dma_wait3A_344] : memref<1015808x64xf32, #tpu.memory_space<hbm>> -> memref<256x64xf32, #tpu.memory_space<hbm>>
      tpu.wait_dma2 semaphore(%arg10 : memref<!tpu.dma_semaphore, #tpu.memory_space<semaphore_mem>>) src(%dma_wait3A_345 : memref<256x64xf32, #tpu.memory_space<hbm>>) dst(%dma_wait3A_342 : memref<256x64xf32, #tpu.memory_space<vmem>>)
      %mul3A_346 = arith.constant 256 : i32
      %mul3A_347 = arith.muli %add3A_292, %mul3A_346 : i32
      %add3A_348 = arith.addi %mul3A_2, %mul3A_347 : i32
      %dma_start3A_349 = arith.constant 0 : i32
      %dma_start3A_350 = arith.constant 0 : i32
      %dma_start3A_351 = arith.constant 0 : i32
      %dma_start3A_352 = tpu.memref_slice %arg8[%dma_start3A_349, %dma_start3A_350, %dma_start3A_351] : memref<4x256x64xf32, #tpu.memory_space<vmem>> -> memref<1x256x64xf32, #tpu.memory_space<vmem>>
      %dma_start3A_353 = tpu.memref_squeeze %dma_start3A_352 : memref<1x256x64xf32, #tpu.memory_space<vmem>> -> memref<256x64xf32, #tpu.memory_space<vmem>>
      %dma_start3A_354 = arith.constant 0 : i32
      %dma_start3A_355 = tpu.memref_slice %arg4[%add3A_348, %dma_start3A_354] : memref<819200x64xf32, #tpu.memory_space<hbm>> -> memref<256x64xf32, #tpu.memory_space<hbm>>
      %dma_start3A_356 = arith.constant 0 : i32
      %dma_start3A_357 = tpu.memref_slice %arg4[%add3A_348, %dma_start3A_356] : memref<819200x64xf32, #tpu.memory_space<hbm>> -> memref<256x64xf32, #tpu.memory_space<hbm>>
      %dma_start3A_358 = arith.constant 0 : i32
      %dma_start3A_359 = arith.constant 0 : i32
      %dma_start3A_360 = tpu.memref_slice %arg8[%dma_start3A_349, %dma_start3A_358, %dma_start3A_359] : memref<4x256x64xf32, #tpu.memory_space<vmem>> -> memref<1x256x64xf32, #tpu.memory_space<vmem>>
      %dma_start3A_361 = tpu.memref_squeeze %dma_start3A_360 : memref<1x256x64xf32, #tpu.memory_space<vmem>> -> memref<256x64xf32, #tpu.memory_space<vmem>>
      tpu.enqueue_dma source(%dma_start3A_361 : memref<256x64xf32, #tpu.memory_space<vmem>>) target(%dma_start3A_357 : memref<256x64xf32, #tpu.memory_space<hbm>>) target_semaphore(%arg14 : memref<!tpu.dma_semaphore, #tpu.memory_space<semaphore_mem>>)
      %mul3A_362 = arith.constant 4 : i32
      %mul3A_363 = arith.muli %add3A_288, %mul3A_362 : i32
      %add3A_364 = arith.constant 1 : i32
      %add3A_365 = arith.addi %mul3A_363, %add3A_364 : i32
      %add3A_366 = arith.constant 4 : i32
      %add3A_367 = arith.addi %add3A_365, %add3A_366 : i32
      %sub3A_368 = arith.constant 1 : i32
      %sub3A_369 = arith.subi %add3A_367, %sub3A_368 : i32
      %dma_wait3A_370 = arith.constant 0 : i32
      %dma_wait3A_371 = arith.constant 0 : i32
      %dma_wait3A_372 = arith.constant 0 : i32
      %dma_wait3A_373 = tpu.memref_slice %arg8[%dma_wait3A_370, %dma_wait3A_371, %dma_wait3A_372] : memref<4x256x64xf32, #tpu.memory_space<vmem>> -> memref<1x256x64xf32, #tpu.memory_space<vmem>>
      %dma_wait3A_374 = tpu.memref_squeeze %dma_wait3A_373 : memref<1x256x64xf32, #tpu.memory_space<vmem>> -> memref<256x64xf32, #tpu.memory_space<vmem>>
      %dma_wait3A_375 = arith.constant 0 : i32
      %dma_wait3A_376 = tpu.memref_slice %arg4[%mul3A_2, %dma_wait3A_375] : memref<819200x64xf32, #tpu.memory_space<hbm>> -> memref<256x64xf32, #tpu.memory_space<hbm>>
      %dma_wait3A_377 = arith.constant 0 : i32
      %dma_wait3A_378 = tpu.memref_slice %arg4[%mul3A_2, %dma_wait3A_377] : memref<819200x64xf32, #tpu.memory_space<hbm>> -> memref<256x64xf32, #tpu.memory_space<hbm>>
      %dma_wait3A_379 = arith.constant 0 : i32
      %dma_wait3A_380 = arith.constant 0 : i32
      %dma_wait3A_381 = tpu.memref_slice %arg8[%dma_wait3A_370, %dma_wait3A_379, %dma_wait3A_380] : memref<4x256x64xf32, #tpu.memory_space<vmem>> -> memref<1x256x64xf32, #tpu.memory_space<vmem>>
      %dma_wait3A_382 = tpu.memref_squeeze %dma_wait3A_381 : memref<1x256x64xf32, #tpu.memory_space<vmem>> -> memref<256x64xf32, #tpu.memory_space<vmem>>
      tpu.wait_dma2 semaphore(%arg14 : memref<!tpu.dma_semaphore, #tpu.memory_space<semaphore_mem>>) src(%dma_wait3A_382 : memref<256x64xf32, #tpu.memory_space<vmem>>) dst(%dma_wait3A_378 : memref<256x64xf32, #tpu.memory_space<hbm>>)
      %lt3A = arith.constant 100 : i32
      %lt3A_383 = arith.cmpi slt, %sub3A_369, %lt3A : i32
      %convert_element_type3A_384 = arith.extui %lt3A_383 : i1 to i32
      %cond3A_385 = arith.constant 0 : i32
      %cond3A_386 = arith.cmpi ne, %convert_element_type3A_384, %cond3A_385 : i32
      scf.if %cond3A_386 {
        %mul3A_532 = arith.constant 256 : i32
        %mul3A_533 = arith.muli %sub3A_369, %mul3A_532 : i32
        %add3A_534 = arith.constant 0 : i32
        %add3A_535 = arith.addi %mul3A_533, %add3A_534 : i32
        %dma_start3A_536 = arith.constant 0 : i32
        %dma_start3A_537 = arith.constant 0 : i32
        %dma_start3A_538 = arith.constant 0 : i32
        %dma_start3A_539 = tpu.memref_slice %arg8[%dma_start3A_536, %dma_start3A_537, %dma_start3A_538] : memref<4x256x64xf32, #tpu.memory_space<vmem>> -> memref<1x256x64xf32, #tpu.memory_space<vmem>>
        %dma_start3A_540 = tpu.memref_squeeze %dma_start3A_539 : memref<1x256x64xf32, #tpu.memory_space<vmem>> -> memref<256x64xf32, #tpu.memory_space<vmem>>
        %dma_start3A_541 = arith.constant 0 : i32
        %dma_start3A_542 = arith.constant 0 : i32
        %dma_start3A_543 = tpu.memref_slice %dma_start3A_540[%dma_start3A_541, %dma_start3A_542] : memref<256x64xf32, #tpu.memory_space<vmem>> -> memref<128x64xf32, #tpu.memory_space<vmem>>
        %dma_start3A_544 = tpu.memref_slice %arg5[%add3A_535] : memref<25600xi32, #tpu.memory_space<vmem>> -> memref<128xi32, #tpu.memory_space<vmem>>
        %dma_start3A_545 = arith.constant 0 : i32
        %dma_start3A_546 = arith.constant 0 : i32
        %dma_start3A_547 = tpu.memref_slice %arg2[%dma_start3A_545, %dma_start3A_546] : memref<1015808x64xf32, #tpu.memory_space<hbm>> -> memref<1015808x64xf32, #tpu.memory_space<hbm>>
        tpu.enqueue_indirect_dma source(%dma_start3A_547 : memref<1015808x64xf32, #tpu.memory_space<hbm>>) target(%dma_start3A_543 : memref<128x64xf32, #tpu.memory_space<vmem>>) offsets(%dma_start3A_544 : memref<128xi32, #tpu.memory_space<vmem>>) semaphore(%arg10 : memref<!tpu.dma_semaphore, #tpu.memory_space<semaphore_mem>>)
        %mul3A_548 = arith.constant 256 : i32
        %mul3A_549 = arith.muli %sub3A_369, %mul3A_548 : i32
        %add3A_550 = arith.constant 128 : i32
        %add3A_551 = arith.addi %mul3A_549, %add3A_550 : i32
        %dma_start3A_552 = arith.constant 0 : i32
        %dma_start3A_553 = arith.constant 0 : i32
        %dma_start3A_554 = arith.constant 0 : i32
        %dma_start3A_555 = tpu.memref_slice %arg8[%dma_start3A_552, %dma_start3A_553, %dma_start3A_554] : memref<4x256x64xf32, #tpu.memory_space<vmem>> -> memref<1x256x64xf32, #tpu.memory_space<vmem>>
        %dma_start3A_556 = tpu.memref_squeeze %dma_start3A_555 : memref<1x256x64xf32, #tpu.memory_space<vmem>> -> memref<256x64xf32, #tpu.memory_space<vmem>>
        %dma_start3A_557 = arith.constant 128 : i32
        %dma_start3A_558 = arith.constant 0 : i32
        %dma_start3A_559 = tpu.memref_slice %dma_start3A_556[%dma_start3A_557, %dma_start3A_558] : memref<256x64xf32, #tpu.memory_space<vmem>> -> memref<128x64xf32, #tpu.memory_space<vmem>>
        %dma_start3A_560 = tpu.memref_slice %arg5[%add3A_551] : memref<25600xi32, #tpu.memory_space<vmem>> -> memref<128xi32, #tpu.memory_space<vmem>>
        %dma_start3A_561 = arith.constant 0 : i32
        %dma_start3A_562 = arith.constant 0 : i32
        %dma_start3A_563 = tpu.memref_slice %arg2[%dma_start3A_561, %dma_start3A_562] : memref<1015808x64xf32, #tpu.memory_space<hbm>> -> memref<1015808x64xf32, #tpu.memory_space<hbm>>
        tpu.enqueue_indirect_dma source(%dma_start3A_563 : memref<1015808x64xf32, #tpu.memory_space<hbm>>) target(%dma_start3A_559 : memref<128x64xf32, #tpu.memory_space<vmem>>) offsets(%dma_start3A_560 : memref<128xi32, #tpu.memory_space<vmem>>) semaphore(%arg10 : memref<!tpu.dma_semaphore, #tpu.memory_space<semaphore_mem>>)
      } else {
      }
      %dma_wait3A_387 = arith.constant 1 : i32
      %dma_wait3A_388 = arith.constant 0 : i32
      %dma_wait3A_389 = arith.constant 0 : i32
      %dma_wait3A_390 = tpu.memref_slice %arg8[%dma_wait3A_387, %dma_wait3A_388, %dma_wait3A_389] : memref<4x256x64xf32, #tpu.memory_space<vmem>> -> memref<1x256x64xf32, #tpu.memory_space<vmem>>
      %dma_wait3A_391 = tpu.memref_squeeze %dma_wait3A_390 : memref<1x256x64xf32, #tpu.memory_space<vmem>> -> memref<256x64xf32, #tpu.memory_space<vmem>>
      %dma_wait3A_392 = arith.constant 0 : i32
      %dma_wait3A_393 = arith.constant 0 : i32
      %dma_wait3A_394 = tpu.memref_slice %arg2[%dma_wait3A_392, %dma_wait3A_393] : memref<1015808x64xf32, #tpu.memory_space<hbm>> -> memref<256x64xf32, #tpu.memory_space<hbm>>
      %dma_wait3A_395 = arith.constant 0 : i32
      %dma_wait3A_396 = arith.constant 0 : i32
      %dma_wait3A_397 = tpu.memref_slice %arg8[%dma_wait3A_387, %dma_wait3A_395, %dma_wait3A_396] : memref<4x256x64xf32, #tpu.memory_space<vmem>> -> memref<1x256x64xf32, #tpu.memory_space<vmem>>
      %dma_wait3A_398 = tpu.memref_squeeze %dma_wait3A_397 : memref<1x256x64xf32, #tpu.memory_space<vmem>> -> memref<256x64xf32, #tpu.memory_space<vmem>>
      %dma_wait3A_399 = arith.constant 0 : i32
      %dma_wait3A_400 = arith.constant 0 : i32
      %dma_wait3A_401 = tpu.memref_slice %arg2[%dma_wait3A_399, %dma_wait3A_400] : memref<1015808x64xf32, #tpu.memory_space<hbm>> -> memref<256x64xf32, #tpu.memory_space<hbm>>
      tpu.wait_dma2 semaphore(%arg11 : memref<!tpu.dma_semaphore, #tpu.memory_space<semaphore_mem>>) src(%dma_wait3A_401 : memref<256x64xf32, #tpu.memory_space<hbm>>) dst(%dma_wait3A_398 : memref<256x64xf32, #tpu.memory_space<vmem>>)
      %mul3A_402 = arith.constant 256 : i32
      %mul3A_403 = arith.muli %add3A_365, %mul3A_402 : i32
      %add3A_404 = arith.addi %mul3A_2, %mul3A_403 : i32
      %dma_start3A_405 = arith.constant 1 : i32
      %dma_start3A_406 = arith.constant 0 : i32
      %dma_start3A_407 = arith.constant 0 : i32
      %dma_start3A_408 = tpu.memref_slice %arg8[%dma_start3A_405, %dma_start3A_406, %dma_start3A_407] : memref<4x256x64xf32, #tpu.memory_space<vmem>> -> memref<1x256x64xf32, #tpu.memory_space<vmem>>
      %dma_start3A_409 = tpu.memref_squeeze %dma_start3A_408 : memref<1x256x64xf32, #tpu.memory_space<vmem>> -> memref<256x64xf32, #tpu.memory_space<vmem>>
      %dma_start3A_410 = arith.constant 0 : i32
      %dma_start3A_411 = tpu.memref_slice %arg4[%add3A_404, %dma_start3A_410] : memref<819200x64xf32, #tpu.memory_space<hbm>> -> memref<256x64xf32, #tpu.memory_space<hbm>>
      %dma_start3A_412 = arith.constant 0 : i32
      %dma_start3A_413 = tpu.memref_slice %arg4[%add3A_404, %dma_start3A_412] : memref<819200x64xf32, #tpu.memory_space<hbm>> -> memref<256x64xf32, #tpu.memory_space<hbm>>
      %dma_start3A_414 = arith.constant 0 : i32
      %dma_start3A_415 = arith.constant 0 : i32
      %dma_start3A_416 = tpu.memref_slice %arg8[%dma_start3A_405, %dma_start3A_414, %dma_start3A_415] : memref<4x256x64xf32, #tpu.memory_space<vmem>> -> memref<1x256x64xf32, #tpu.memory_space<vmem>>
      %dma_start3A_417 = tpu.memref_squeeze %dma_start3A_416 : memref<1x256x64xf32, #tpu.memory_space<vmem>> -> memref<256x64xf32, #tpu.memory_space<vmem>>
      tpu.enqueue_dma source(%dma_start3A_417 : memref<256x64xf32, #tpu.memory_space<vmem>>) target(%dma_start3A_413 : memref<256x64xf32, #tpu.memory_space<hbm>>) target_semaphore(%arg15 : memref<!tpu.dma_semaphore, #tpu.memory_space<semaphore_mem>>)
      %mul3A_418 = arith.constant 4 : i32
      %mul3A_419 = arith.muli %add3A_288, %mul3A_418 : i32
      %add3A_420 = arith.constant 2 : i32
      %add3A_421 = arith.addi %mul3A_419, %add3A_420 : i32
      %add3A_422 = arith.constant 4 : i32
      %add3A_423 = arith.addi %add3A_421, %add3A_422 : i32
      %sub3A_424 = arith.constant 1 : i32
      %sub3A_425 = arith.subi %add3A_423, %sub3A_424 : i32
      %dma_wait3A_426 = arith.constant 1 : i32
      %dma_wait3A_427 = arith.constant 0 : i32
      %dma_wait3A_428 = arith.constant 0 : i32
      %dma_wait3A_429 = tpu.memref_slice %arg8[%dma_wait3A_426, %dma_wait3A_427, %dma_wait3A_428] : memref<4x256x64xf32, #tpu.memory_space<vmem>> -> memref<1x256x64xf32, #tpu.memory_space<vmem>>
      %dma_wait3A_430 = tpu.memref_squeeze %dma_wait3A_429 : memref<1x256x64xf32, #tpu.memory_space<vmem>> -> memref<256x64xf32, #tpu.memory_space<vmem>>
      %dma_wait3A_431 = arith.constant 0 : i32
      %dma_wait3A_432 = tpu.memref_slice %arg4[%mul3A_2, %dma_wait3A_431] : memref<819200x64xf32, #tpu.memory_space<hbm>> -> memref<256x64xf32, #tpu.memory_space<hbm>>
      %dma_wait3A_433 = arith.constant 0 : i32
      %dma_wait3A_434 = tpu.memref_slice %arg4[%mul3A_2, %dma_wait3A_433] : memref<819200x64xf32, #tpu.memory_space<hbm>> -> memref<256x64xf32, #tpu.memory_space<hbm>>
      %dma_wait3A_435 = arith.constant 0 : i32
      %dma_wait3A_436 = arith.constant 0 : i32
      %dma_wait3A_437 = tpu.memref_slice %arg8[%dma_wait3A_426, %dma_wait3A_435, %dma_wait3A_436] : memref<4x256x64xf32, #tpu.memory_space<vmem>> -> memref<1x256x64xf32, #tpu.memory_space<vmem>>
      %dma_wait3A_438 = tpu.memref_squeeze %dma_wait3A_437 : memref<1x256x64xf32, #tpu.memory_space<vmem>> -> memref<256x64xf32, #tpu.memory_space<vmem>>
      tpu.wait_dma2 semaphore(%arg15 : memref<!tpu.dma_semaphore, #tpu.memory_space<semaphore_mem>>) src(%dma_wait3A_438 : memref<256x64xf32, #tpu.memory_space<vmem>>) dst(%dma_wait3A_434 : memref<256x64xf32, #tpu.memory_space<hbm>>)
      %lt3A_439 = arith.constant 100 : i32
      %lt3A_440 = arith.cmpi slt, %sub3A_425, %lt3A_439 : i32
      %convert_element_type3A_441 = arith.extui %lt3A_440 : i1 to i32
      %cond3A_442 = arith.constant 0 : i32
      %cond3A_443 = arith.cmpi ne, %convert_element_type3A_441, %cond3A_442 : i32
      scf.if %cond3A_443 {
        %mul3A_532 = arith.constant 256 : i32
        %mul3A_533 = arith.muli %sub3A_425, %mul3A_532 : i32
        %add3A_534 = arith.constant 0 : i32
        %add3A_535 = arith.addi %mul3A_533, %add3A_534 : i32
        %dma_start3A_536 = arith.constant 1 : i32
        %dma_start3A_537 = arith.constant 0 : i32
        %dma_start3A_538 = arith.constant 0 : i32
        %dma_start3A_539 = tpu.memref_slice %arg8[%dma_start3A_536, %dma_start3A_537, %dma_start3A_538] : memref<4x256x64xf32, #tpu.memory_space<vmem>> -> memref<1x256x64xf32, #tpu.memory_space<vmem>>
        %dma_start3A_540 = tpu.memref_squeeze %dma_start3A_539 : memref<1x256x64xf32, #tpu.memory_space<vmem>> -> memref<256x64xf32, #tpu.memory_space<vmem>>
        %dma_start3A_541 = arith.constant 0 : i32
        %dma_start3A_542 = arith.constant 0 : i32
        %dma_start3A_543 = tpu.memref_slice %dma_start3A_540[%dma_start3A_541, %dma_start3A_542] : memref<256x64xf32, #tpu.memory_space<vmem>> -> memref<128x64xf32, #tpu.memory_space<vmem>>
        %dma_start3A_544 = tpu.memref_slice %arg5[%add3A_535] : memref<25600xi32, #tpu.memory_space<vmem>> -> memref<128xi32, #tpu.memory_space<vmem>>
        %dma_start3A_545 = arith.constant 0 : i32
        %dma_start3A_546 = arith.constant 0 : i32
        %dma_start3A_547 = tpu.memref_slice %arg2[%dma_start3A_545, %dma_start3A_546] : memref<1015808x64xf32, #tpu.memory_space<hbm>> -> memref<1015808x64xf32, #tpu.memory_space<hbm>>
        tpu.enqueue_indirect_dma source(%dma_start3A_547 : memref<1015808x64xf32, #tpu.memory_space<hbm>>) target(%dma_start3A_543 : memref<128x64xf32, #tpu.memory_space<vmem>>) offsets(%dma_start3A_544 : memref<128xi32, #tpu.memory_space<vmem>>) semaphore(%arg11 : memref<!tpu.dma_semaphore, #tpu.memory_space<semaphore_mem>>)
        %mul3A_548 = arith.constant 256 : i32
        %mul3A_549 = arith.muli %sub3A_425, %mul3A_548 : i32
        %add3A_550 = arith.constant 128 : i32
        %add3A_551 = arith.addi %mul3A_549, %add3A_550 : i32
        %dma_start3A_552 = arith.constant 1 : i32
        %dma_start3A_553 = arith.constant 0 : i32
        %dma_start3A_554 = arith.constant 0 : i32
        %dma_start3A_555 = tpu.memref_slice %arg8[%dma_start3A_552, %dma_start3A_553, %dma_start3A_554] : memref<4x256x64xf32, #tpu.memory_space<vmem>> -> memref<1x256x64xf32, #tpu.memory_space<vmem>>
        %dma_start3A_556 = tpu.memref_squeeze %dma_start3A_555 : memref<1x256x64xf32, #tpu.memory_space<vmem>> -> memref<256x64xf32, #tpu.memory_space<vmem>>
        %dma_start3A_557 = arith.constant 128 : i32
        %dma_start3A_558 = arith.constant 0 : i32
        %dma_start3A_559 = tpu.memref_slice %dma_start3A_556[%dma_start3A_557, %dma_start3A_558] : memref<256x64xf32, #tpu.memory_space<vmem>> -> memref<128x64xf32, #tpu.memory_space<vmem>>
        %dma_start3A_560 = tpu.memref_slice %arg5[%add3A_551] : memref<25600xi32, #tpu.memory_space<vmem>> -> memref<128xi32, #tpu.memory_space<vmem>>
        %dma_start3A_561 = arith.constant 0 : i32
        %dma_start3A_562 = arith.constant 0 : i32
        %dma_start3A_563 = tpu.memref_slice %arg2[%dma_start3A_561, %dma_start3A_562] : memref<1015808x64xf32, #tpu.memory_space<hbm>> -> memref<1015808x64xf32, #tpu.memory_space<hbm>>
        tpu.enqueue_indirect_dma source(%dma_start3A_563 : memref<1015808x64xf32, #tpu.memory_space<hbm>>) target(%dma_start3A_559 : memref<128x64xf32, #tpu.memory_space<vmem>>) offsets(%dma_start3A_560 : memref<128xi32, #tpu.memory_space<vmem>>) semaphore(%arg11 : memref<!tpu.dma_semaphore, #tpu.memory_space<semaphore_mem>>)
      } else {
      }
      %dma_wait3A_444 = arith.constant 2 : i32
      %dma_wait3A_445 = arith.constant 0 : i32
      %dma_wait3A_446 = arith.constant 0 : i32
      %dma_wait3A_447 = tpu.memref_slice %arg8[%dma_wait3A_444, %dma_wait3A_445, %dma_wait3A_446] : memref<4x256x64xf32, #tpu.memory_space<vmem>> -> memref<1x256x64xf32, #tpu.memory_space<vmem>>
      %dma_wait3A_448 = tpu.memref_squeeze %dma_wait3A_447 : memref<1x256x64xf32, #tpu.memory_space<vmem>> -> memref<256x64xf32, #tpu.memory_space<vmem>>
      %dma_wait3A_449 = arith.constant 0 : i32
      %dma_wait3A_450 = arith.constant 0 : i32
      %dma_wait3A_451 = tpu.memref_slice %arg2[%dma_wait3A_449, %dma_wait3A_450] : memref<1015808x64xf32, #tpu.memory_space<hbm>> -> memref<256x64xf32, #tpu.memory_space<hbm>>
      %dma_wait3A_452 = arith.constant 0 : i32
      %dma_wait3A_453 = arith.constant 0 : i32
      %dma_wait3A_454 = tpu.memref_slice %arg8[%dma_wait3A_444, %dma_wait3A_452, %dma_wait3A_453] : memref<4x256x64xf32, #tpu.memory_space<vmem>> -> memref<1x256x64xf32, #tpu.memory_space<vmem>>
      %dma_wait3A_455 = tpu.memref_squeeze %dma_wait3A_454 : memref<1x256x64xf32, #tpu.memory_space<vmem>> -> memref<256x64xf32, #tpu.memory_space<vmem>>
      %dma_wait3A_456 = arith.constant 0 : i32
      %dma_wait3A_457 = arith.constant 0 : i32
      %dma_wait3A_458 = tpu.memref_slice %arg2[%dma_wait3A_456, %dma_wait3A_457] : memref<1015808x64xf32, #tpu.memory_space<hbm>> -> memref<256x64xf32, #tpu.memory_space<hbm>>
      tpu.wait_dma2 semaphore(%arg12 : memref<!tpu.dma_semaphore, #tpu.memory_space<semaphore_mem>>) src(%dma_wait3A_458 : memref<256x64xf32, #tpu.memory_space<hbm>>) dst(%dma_wait3A_455 : memref<256x64xf32, #tpu.memory_space<vmem>>)
      %mul3A_459 = arith.constant 256 : i32
      %mul3A_460 = arith.muli %add3A_421, %mul3A_459 : i32
      %add3A_461 = arith.addi %mul3A_2, %mul3A_460 : i32
      %dma_start3A_462 = arith.constant 2 : i32
      %dma_start3A_463 = arith.constant 0 : i32
      %dma_start3A_464 = arith.constant 0 : i32
      %dma_start3A_465 = tpu.memref_slice %arg8[%dma_start3A_462, %dma_start3A_463, %dma_start3A_464] : memref<4x256x64xf32, #tpu.memory_space<vmem>> -> memref<1x256x64xf32, #tpu.memory_space<vmem>>
      %dma_start3A_466 = tpu.memref_squeeze %dma_start3A_465 : memref<1x256x64xf32, #tpu.memory_space<vmem>> -> memref<256x64xf32, #tpu.memory_space<vmem>>
      %dma_start3A_467 = arith.constant 0 : i32
      %dma_start3A_468 = tpu.memref_slice %arg4[%add3A_461, %dma_start3A_467] : memref<819200x64xf32, #tpu.memory_space<hbm>> -> memref<256x64xf32, #tpu.memory_space<hbm>>
      %dma_start3A_469 = arith.constant 0 : i32
      %dma_start3A_470 = tpu.memref_slice %arg4[%add3A_461, %dma_start3A_469] : memref<819200x64xf32, #tpu.memory_space<hbm>> -> memref<256x64xf32, #tpu.memory_space<hbm>>
      %dma_start3A_471 = arith.constant 0 : i32
      %dma_start3A_472 = arith.constant 0 : i32
      %dma_start3A_473 = tpu.memref_slice %arg8[%dma_start3A_462, %dma_start3A_471, %dma_start3A_472] : memref<4x256x64xf32, #tpu.memory_space<vmem>> -> memref<1x256x64xf32, #tpu.memory_space<vmem>>
      %dma_start3A_474 = tpu.memref_squeeze %dma_start3A_473 : memref<1x256x64xf32, #tpu.memory_space<vmem>> -> memref<256x64xf32, #tpu.memory_space<vmem>>
      tpu.enqueue_dma source(%dma_start3A_474 : memref<256x64xf32, #tpu.memory_space<vmem>>) target(%dma_start3A_470 : memref<256x64xf32, #tpu.memory_space<hbm>>) target_semaphore(%arg16 : memref<!tpu.dma_semaphore, #tpu.memory_space<semaphore_mem>>)
      %mul3A_475 = arith.constant 4 : i32
      %mul3A_476 = arith.muli %add3A_288, %mul3A_475 : i32
      %add3A_477 = arith.constant 3 : i32
      %add3A_478 = arith.addi %mul3A_476, %add3A_477 : i32
      %add3A_479 = arith.constant 4 : i32
      %add3A_480 = arith.addi %add3A_478, %add3A_479 : i32
      %sub3A_481 = arith.constant 1 : i32
      %sub3A_482 = arith.subi %add3A_480, %sub3A_481 : i32
      %dma_wait3A_483 = arith.constant 2 : i32
      %dma_wait3A_484 = arith.constant 0 : i32
      %dma_wait3A_485 = arith.constant 0 : i32
      %dma_wait3A_486 = tpu.memref_slice %arg8[%dma_wait3A_483, %dma_wait3A_484, %dma_wait3A_485] : memref<4x256x64xf32, #tpu.memory_space<vmem>> -> memref<1x256x64xf32, #tpu.memory_space<vmem>>
      %dma_wait3A_487 = tpu.memref_squeeze %dma_wait3A_486 : memref<1x256x64xf32, #tpu.memory_space<vmem>> -> memref<256x64xf32, #tpu.memory_space<vmem>>
      %dma_wait3A_488 = arith.constant 0 : i32
      %dma_wait3A_489 = tpu.memref_slice %arg4[%mul3A_2, %dma_wait3A_488] : memref<819200x64xf32, #tpu.memory_space<hbm>> -> memref<256x64xf32, #tpu.memory_space<hbm>>
      %dma_wait3A_490 = arith.constant 0 : i32
      %dma_wait3A_491 = tpu.memref_slice %arg4[%mul3A_2, %dma_wait3A_490] : memref<819200x64xf32, #tpu.memory_space<hbm>> -> memref<256x64xf32, #tpu.memory_space<hbm>>
      %dma_wait3A_492 = arith.constant 0 : i32
      %dma_wait3A_493 = arith.constant 0 : i32
      %dma_wait3A_494 = tpu.memref_slice %arg8[%dma_wait3A_483, %dma_wait3A_492, %dma_wait3A_493] : memref<4x256x64xf32, #tpu.memory_space<vmem>> -> memref<1x256x64xf32, #tpu.memory_space<vmem>>
      %dma_wait3A_495 = tpu.memref_squeeze %dma_wait3A_494 : memref<1x256x64xf32, #tpu.memory_space<vmem>> -> memref<256x64xf32, #tpu.memory_space<vmem>>
      tpu.wait_dma2 semaphore(%arg16 : memref<!tpu.dma_semaphore, #tpu.memory_space<semaphore_mem>>) src(%dma_wait3A_495 : memref<256x64xf32, #tpu.memory_space<vmem>>) dst(%dma_wait3A_491 : memref<256x64xf32, #tpu.memory_space<hbm>>)
      %lt3A_496 = arith.constant 100 : i32
      %lt3A_497 = arith.cmpi slt, %sub3A_482, %lt3A_496 : i32
      %convert_element_type3A_498 = arith.extui %lt3A_497 : i1 to i32
      %cond3A_499 = arith.constant 0 : i32
      %cond3A_500 = arith.cmpi ne, %convert_element_type3A_498, %cond3A_499 : i32
      scf.if %cond3A_500 {
        %mul3A_532 = arith.constant 256 : i32
        %mul3A_533 = arith.muli %sub3A_482, %mul3A_532 : i32
        %add3A_534 = arith.constant 0 : i32
        %add3A_535 = arith.addi %mul3A_533, %add3A_534 : i32
        %dma_start3A_536 = arith.constant 2 : i32
        %dma_start3A_537 = arith.constant 0 : i32
        %dma_start3A_538 = arith.constant 0 : i32
        %dma_start3A_539 = tpu.memref_slice %arg8[%dma_start3A_536, %dma_start3A_537, %dma_start3A_538] : memref<4x256x64xf32, #tpu.memory_space<vmem>> -> memref<1x256x64xf32, #tpu.memory_space<vmem>>
        %dma_start3A_540 = tpu.memref_squeeze %dma_start3A_539 : memref<1x256x64xf32, #tpu.memory_space<vmem>> -> memref<256x64xf32, #tpu.memory_space<vmem>>
        %dma_start3A_541 = arith.constant 0 : i32
        %dma_start3A_542 = arith.constant 0 : i32
        %dma_start3A_543 = tpu.memref_slice %dma_start3A_540[%dma_start3A_541, %dma_start3A_542] : memref<256x64xf32, #tpu.memory_space<vmem>> -> memref<128x64xf32, #tpu.memory_space<vmem>>
        %dma_start3A_544 = tpu.memref_slice %arg5[%add3A_535] : memref<25600xi32, #tpu.memory_space<vmem>> -> memref<128xi32, #tpu.memory_space<vmem>>
        %dma_start3A_545 = arith.constant 0 : i32
        %dma_start3A_546 = arith.constant 0 : i32
        %dma_start3A_547 = tpu.memref_slice %arg2[%dma_start3A_545, %dma_start3A_546] : memref<1015808x64xf32, #tpu.memory_space<hbm>> -> memref<1015808x64xf32, #tpu.memory_space<hbm>>
        tpu.enqueue_indirect_dma source(%dma_start3A_547 : memref<1015808x64xf32, #tpu.memory_space<hbm>>) target(%dma_start3A_543 : memref<128x64xf32, #tpu.memory_space<vmem>>) offsets(%dma_start3A_544 : memref<128xi32, #tpu.memory_space<vmem>>) semaphore(%arg12 : memref<!tpu.dma_semaphore, #tpu.memory_space<semaphore_mem>>)
        %mul3A_548 = arith.constant 256 : i32
        %mul3A_549 = arith.muli %sub3A_482, %mul3A_548 : i32
        %add3A_550 = arith.constant 128 : i32
        %add3A_551 = arith.addi %mul3A_549, %add3A_550 : i32
        %dma_start3A_552 = arith.constant 2 : i32
        %dma_start3A_553 = arith.constant 0 : i32
        %dma_start3A_554 = arith.constant 0 : i32
        %dma_start3A_555 = tpu.memref_slice %arg8[%dma_start3A_552, %dma_start3A_553, %dma_start3A_554] : memref<4x256x64xf32, #tpu.memory_space<vmem>> -> memref<1x256x64xf32, #tpu.memory_space<vmem>>
        %dma_start3A_556 = tpu.memref_squeeze %dma_start3A_555 : memref<1x256x64xf32, #tpu.memory_space<vmem>> -> memref<256x64xf32, #tpu.memory_space<vmem>>
        %dma_start3A_557 = arith.constant 128 : i32
        %dma_start3A_558 = arith.constant 0 : i32
        %dma_start3A_559 = tpu.memref_slice %dma_start3A_556[%dma_start3A_557, %dma_start3A_558] : memref<256x64xf32, #tpu.memory_space<vmem>> -> memref<128x64xf32, #tpu.memory_space<vmem>>
        %dma_start3A_560 = tpu.memref_slice %arg5[%add3A_551] : memref<25600xi32, #tpu.memory_space<vmem>> -> memref<128xi32, #tpu.memory_space<vmem>>
        %dma_start3A_561 = arith.constant 0 : i32
        %dma_start3A_562 = arith.constant 0 : i32
        %dma_start3A_563 = tpu.memref_slice %arg2[%dma_start3A_561, %dma_start3A_562] : memref<1015808x64xf32, #tpu.memory_space<hbm>> -> memref<1015808x64xf32, #tpu.memory_space<hbm>>
        tpu.enqueue_indirect_dma source(%dma_start3A_563 : memref<1015808x64xf32, #tpu.memory_space<hbm>>) target(%dma_start3A_559 : memref<128x64xf32, #tpu.memory_space<vmem>>) offsets(%dma_start3A_560 : memref<128xi32, #tpu.memory_space<vmem>>) semaphore(%arg12 : memref<!tpu.dma_semaphore, #tpu.memory_space<semaphore_mem>>)
      } else {
      }
      %dma_wait3A_501 = arith.constant 3 : i32
      %dma_wait3A_502 = arith.constant 0 : i32
      %dma_wait3A_503 = arith.constant 0 : i32
      %dma_wait3A_504 = tpu.memref_slice %arg8[%dma_wait3A_501, %dma_wait3A_502, %dma_wait3A_503] : memref<4x256x64xf32, #tpu.memory_space<vmem>> -> memref<1x256x64xf32, #tpu.memory_space<vmem>>
      %dma_wait3A_505 = tpu.memref_squeeze %dma_wait3A_504 : memref<1x256x64xf32, #tpu.memory_space<vmem>> -> memref<256x64xf32, #tpu.memory_space<vmem>>
      %dma_wait3A_506 = arith.constant 0 : i32
      %dma_wait3A_507 = arith.constant 0 : i32
      %dma_wait3A_508 = tpu.memref_slice %arg2[%dma_wait3A_506, %dma_wait3A_507] : memref<1015808x64xf32, #tpu.memory_space<hbm>> -> memref<256x64xf32, #tpu.memory_space<hbm>>
      %dma_wait3A_509 = arith.constant 0 : i32
      %dma_wait3A_510 = arith.constant 0 : i32
      %dma_wait3A_511 = tpu.memref_slice %arg8[%dma_wait3A_501, %dma_wait3A_509, %dma_wait3A_510] : memref<4x256x64xf32, #tpu.memory_space<vmem>> -> memref<1x256x64xf32, #tpu.memory_space<vmem>>
      %dma_wait3A_512 = tpu.memref_squeeze %dma_wait3A_511 : memref<1x256x64xf32, #tpu.memory_space<vmem>> -> memref<256x64xf32, #tpu.memory_space<vmem>>
      %dma_wait3A_513 = arith.constant 0 : i32
      %dma_wait3A_514 = arith.constant 0 : i32
      %dma_wait3A_515 = tpu.memref_slice %arg2[%dma_wait3A_513, %dma_wait3A_514] : memref<1015808x64xf32, #tpu.memory_space<hbm>> -> memref<256x64xf32, #tpu.memory_space<hbm>>
      tpu.wait_dma2 semaphore(%arg13 : memref<!tpu.dma_semaphore, #tpu.memory_space<semaphore_mem>>) src(%dma_wait3A_515 : memref<256x64xf32, #tpu.memory_space<hbm>>) dst(%dma_wait3A_512 : memref<256x64xf32, #tpu.memory_space<vmem>>)
      %mul3A_516 = arith.constant 256 : i32
      %mul3A_517 = arith.muli %add3A_478, %mul3A_516 : i32
      %add3A_518 = arith.addi %mul3A_2, %mul3A_517 : i32
      %dma_start3A_519 = arith.constant 3 : i32
      %dma_start3A_520 = arith.constant 0 : i32
      %dma_start3A_521 = arith.constant 0 : i32
      %dma_start3A_522 = tpu.memref_slice %arg8[%dma_start3A_519, %dma_start3A_520, %dma_start3A_521] : memref<4x256x64xf32, #tpu.memory_space<vmem>> -> memref<1x256x64xf32, #tpu.memory_space<vmem>>
      %dma_start3A_523 = tpu.memref_squeeze %dma_start3A_522 : memref<1x256x64xf32, #tpu.memory_space<vmem>> -> memref<256x64xf32, #tpu.memory_space<vmem>>
      %dma_start3A_524 = arith.constant 0 : i32
      %dma_start3A_525 = tpu.memref_slice %arg4[%add3A_518, %dma_start3A_524] : memref<819200x64xf32, #tpu.memory_space<hbm>> -> memref<256x64xf32, #tpu.memory_space<hbm>>
      %dma_start3A_526 = arith.constant 0 : i32
      %dma_start3A_527 = tpu.memref_slice %arg4[%add3A_518, %dma_start3A_526] : memref<819200x64xf32, #tpu.memory_space<hbm>> -> memref<256x64xf32, #tpu.memory_space<hbm>>
      %dma_start3A_528 = arith.constant 0 : i32
      %dma_start3A_529 = arith.constant 0 : i32
      %dma_start3A_530 = tpu.memref_slice %arg8[%dma_start3A_519, %dma_start3A_528, %dma_start3A_529] : memref<4x256x64xf32, #tpu.memory_space<vmem>> -> memref<1x256x64xf32, #tpu.memory_space<vmem>>
      %dma_start3A_531 = tpu.memref_squeeze %dma_start3A_530 : memref<1x256x64xf32, #tpu.memory_space<vmem>> -> memref<256x64xf32, #tpu.memory_space<vmem>>
      tpu.enqueue_dma source(%dma_start3A_531 : memref<256x64xf32, #tpu.memory_space<vmem>>) target(%dma_start3A_527 : memref<256x64xf32, #tpu.memory_space<hbm>>) target_semaphore(%arg17 : memref<!tpu.dma_semaphore, #tpu.memory_space<semaphore_mem>>)
    }
    %scan3A_270 = arith.constant 25 : i32
    %dma_wait3A_271 = arith.constant 3 : i32
    %dma_wait3A_272 = arith.constant 0 : i32
    %dma_wait3A_273 = arith.constant 0 : i32
    %dma_wait3A_274 = tpu.memref_slice %arg8[%dma_wait3A_271, %dma_wait3A_272, %dma_wait3A_273] : memref<4x256x64xf32, #tpu.memory_space<vmem>> -> memref<1x256x64xf32, #tpu.memory_space<vmem>>
    %dma_wait3A_275 = tpu.memref_squeeze %dma_wait3A_274 : memref<1x256x64xf32, #tpu.memory_space<vmem>> -> memref<256x64xf32, #tpu.memory_space<vmem>>
    %dma_wait3A_276 = arith.constant 0 : i32
    %dma_wait3A_277 = tpu.memref_slice %arg4[%mul3A_2, %dma_wait3A_276] : memref<819200x64xf32, #tpu.memory_space<hbm>> -> memref<256x64xf32, #tpu.memory_space<hbm>>
    %dma_wait3A_278 = arith.constant 0 : i32
    %dma_wait3A_279 = tpu.memref_slice %arg4[%mul3A_2, %dma_wait3A_278] : memref<819200x64xf32, #tpu.memory_space<hbm>> -> memref<256x64xf32, #tpu.memory_space<hbm>>
    %dma_wait3A_280 = arith.constant 0 : i32
    %dma_wait3A_281 = arith.constant 0 : i32
    %dma_wait3A_282 = tpu.memref_slice %arg8[%dma_wait3A_271, %dma_wait3A_280, %dma_wait3A_281] : memref<4x256x64xf32, #tpu.memory_space<vmem>> -> memref<1x256x64xf32, #tpu.memory_space<vmem>>
    %dma_wait3A_283 = tpu.memref_squeeze %dma_wait3A_282 : memref<1x256x64xf32, #tpu.memory_space<vmem>> -> memref<256x64xf32, #tpu.memory_space<vmem>>
    tpu.wait_dma2 semaphore(%arg17 : memref<!tpu.dma_semaphore, #tpu.memory_space<semaphore_mem>>) src(%dma_wait3A_283 : memref<256x64xf32, #tpu.memory_space<vmem>>) dst(%dma_wait3A_279 : memref<256x64xf32, #tpu.memory_space<hbm>>)
    return
  }
}

</mosaic_0001>

<sc_bundles>
// kernel: _gather_rows.3.cloned.1.call-start
scs
__scs_entry_jumppad:
0x0: {  	(pc) =	sbr.rel $0x88, $3  }
0x1: {  	(tag) =	ssettag $0x0;
	lr =	simm.s32 $0x1  }
0x2: {  	[smem:$0x3F9F] =	sst lr;
	_ =	strace $0xD0000000  }
0x3: {  	_ = 	snop  }
0x4: {  	_ = 	snop  }
0x5: {  	_ = 	snop  }
0x6: {  	_ = 	snop  }
0x7: {  	_ = 	snop  }
__scs_overlays_trampoline_lowered:
0x8: {  	[smem:$0x3FAE] =	sst s0  }
0x9: {  	[smem:$0x3FAF] =	sst s1  }
0xa: {  	[smem:$0x3FB0] =	sst s2  }
0xb: {  	[smem:$0x3FB1] =	sst s3  }
0xc: {  	[smem:$0x3FB2] =	sst s4  }
0xd: {  	[smem:$0x3FB3] =	sst s5  }
0xe: {  	[smem:$0x3FB4] =	sst s6  }
0xf: {  	[smem:$0x3FB5] =	sst s7  }
0x10: {  	[smem:$0x3FB6] =	sst s8  }
0x11: {  	[smem:$0x3FB7] =	sst s9;
	s0 =	simm.s32 @!p0 $0x0  }
0x12: {  	s1 =	sld [smem:$0x3F9D];
	s0 =	simm.s32 @p0 $0x1  }
0x13: {  	[smem:$0x3FB8] =	sst s0;
	s0 =	simm.s32 @!p1 $0x0  }
0x14: {  	s2 =	sld [smem:$0x3F9C];
	s0 =	simm.s32 @p1 $0x1  }
0x15: {  	[smem:$0x3FB9] =	sst s0;
	s0 =	simm.s32 @!p2 $0x0  }
0x16: {  	s3 =	sld [smem:$0x3FDB];
	s0 =	simm.s32 @p2 $0x1  }
0x17: {  	s4 =	simm.s32 $0x1BF5;
	[smem:$0x3FBB] =	sst s0  }
0x18: {  	s0 =	sld [smem:$0x3F9E];
	_ =	swait.ge [sflag:s4], $0x0  }
0x19: {  	s7 =	sld [smem:$0x3F9F]  }
0x1a: {  	s8 =	sadd.s32 $0xFFFFE003, lr  }
0x1b: {  	s9 =	sadd.s32 $0xFFFFFEF7, lr;
	s5 =	simm.s32 $0xFFFFFFFF;
	p2 =	slt.u32 s8, $0xFFFFF086  }
0x1c: {  	p1 =	slt.u32 s9, $0xF7A;
	s5 =	simm.s32 @!p2 $0x0  }
0x1d: {  	s5 =	simm.s32 @p1 $0x1;
	p0 =	seq.s32 s7, s2  }
0x1e: {  	s7 =	smul.u32 @!p0 $0xF7A, s2;
	p2 =	seq.s32 @!p0 s5, $0x0  }
0x1f: {  	s9 =	smul.u32 $0xF7A, s1;
	s8 =	simm.s32 @!p0 $0x1BF5;
	p2 =	por !p2, p0  }
0x20: {  	[sflag:s8] =	ssyncset.s32 @!p0 $0xFFFFF086;
	s6 =	sadd.s32 @!p0 s3, s7;
	s7 =	simm.s32 @!p0 $0x108  }
0x21: {  	s3 =	sadd.s32 s3, s9;
	s6 =	sadd.s32 @!p0 $0x88, s6;
	s7 =	simm.s32 @p2 $0x1082  }
0x22: {  	[simem:s7], [sflag:s8] =	dma.local @!p0 [hbm:s6], $0xF7A  }
0x23: {  	s9 =	sor.u32 $0xD0000000, s2;
	s6 =	simm.s32 $0x108;
	_ =	swait.ge @!p0 [sflag:s8], $0x0  }
0x24: {  	s3 =	sadd.s32 $0x88, s3;
	s6 =	simm.s32 @!p1 $0x1082;
	[sflag:s4] =	ssyncset.s32 $0xFFFFF086  }
0x25: {  	[simem:s6], [sflag:s4] =	dma.local [hbm:s3], $0xF7A  }
0x26: {  	[smem:$0x3F9F] =	sst s1;
	(tag) =	ssettag s2;
	_ =	strace s9  }
0x27: {  	s1 =	sld [smem:$0x3FAF]  }
0x28: {  	s2 =	sld [smem:$0x3FB0]  }
0x29: {  	s4 =	sld [smem:$0x3FB2]  }
0x2a: {  	p0 =	seq.s32 s5, $0x0;
	s5 =	sld [smem:$0x3FB3]  }
0x2b: {  	s6 =	sld [smem:$0x3FB4]  }
0x2c: {  	s7 =	sld [smem:$0x3FB5]  }
0x2d: {  	s3 =	simm.s32 $0x108;
	s8 =	sld [smem:$0x3FB6]  }
0x2e: {  	s3 =	simm.s32 @!p0 $0x1082;
	s9 =	sld [smem:$0x3FB7]  }
0x2f: {  	lr =	sadd.s32 s0, s3;
	s0 =	sld [smem:$0x3FAE]  }
0x30: {  	s3 =	sld [smem:$0x3FB1]  }
0x31: {  	[smem:$0x3FBA] =	sst s10  }
0x32: {  	s10 =	sld [smem:$0x3FB8];
	_ =	sdelay $0x3  }
0x33: {  	p0 =	seq.s32 s10, $0x1;
	s10 =	sld [smem:$0x3FBA];
	_ =	sdelay $0x3  }
0x34: {  	[smem:$0x3FBA] =	sst s10  }
0x35: {  	s10 =	sld [smem:$0x3FB9];
	_ =	sdelay $0x3  }
0x36: {  	p1 =	seq.s32 s10, $0x1;
	s10 =	sld [smem:$0x3FBA];
	_ =	sdelay $0x3  }
0x37: {  	[smem:$0x3FBA] =	sst s10  }
0x38: {  	s10 =	sld [smem:$0x3FBB]  }
0x39: {  	_ = 	snop;
	(pc) =	sbr.ind lr, $3  }
0x3a: {  	_ = 	snop  }
0x3b: {  	_ = 	snop  }
0x3c: {  	p2 =	seq.s32 s10, $0x1;
	s10 =	sld [smem:$0x3FBA]  }
0x3d: {  	_ =	shalt  }
0x3e: {  	_ =	shalt  }
0x3f: {  	_ =	shalt  }
0x40: {  	_ =	shalt  }
0x41: {  	_ =	shalt  }
0x42: {  	_ =	shalt  }
0x43: {  	_ =	shalt  }
0x44: {  	_ =	shalt  }
0x45: {  	_ =	shalt  }
0x46: {  	_ =	shalt  }
0x47: {  	_ =	shalt  }
0x48: {  	_ =	shalt  }
0x49: {  	_ =	shalt  }
0x4a: {  	_ =	shalt  }
0x4b: {  	_ =	shalt  }
0x4c: {  	_ =	shalt  }
0x4d: {  	_ =	shalt  }
0x4e: {  	_ =	shalt  }
0x4f: {  	_ =	shalt  }
0x50: {  	_ =	shalt  }
0x51: {  	_ =	shalt  }
0x52: {  	_ =	shalt  }
0x53: {  	_ =	shalt  }
0x54: {  	_ =	shalt  }
0x55: {  	_ =	shalt  }
0x56: {  	_ =	shalt  }
0x57: {  	_ =	shalt  }
0x58: {  	_ =	shalt  }
0x59: {  	_ =	shalt  }
0x5a: {  	_ =	shalt  }
0x5b: {  	_ =	shalt  }
0x5c: {  	_ =	shalt  }
0x5d: {  	_ =	shalt  }
0x5e: {  	_ =	shalt  }
0x5f: {  	_ =	shalt  }
0x60: {  	_ =	shalt  }
0x61: {  	_ =	shalt  }
0x62: {  	_ =	shalt  }
0x63: {  	_ =	shalt  }
0x64: {  	_ =	shalt  }
0x65: {  	_ =	shalt  }
0x66: {  	_ =	shalt  }
0x67: {  	_ =	shalt  }
0x68: {  	_ =	shalt  }
0x69: {  	_ =	shalt  }
0x6a: {  	_ =	shalt  }
0x6b: {  	_ =	shalt  }
0x6c: {  	_ =	shalt  }
0x6d: {  	_ =	shalt  }
0x6e: {  	_ =	shalt  }
0x6f: {  	_ =	shalt  }
0x70: {  	_ =	shalt  }
0x71: {  	_ =	shalt  }
0x72: {  	_ =	shalt  }
0x73: {  	_ =	shalt  }
0x74: {  	_ =	shalt  }
0x75: {  	_ =	shalt  }
0x76: {  	_ =	shalt  }
0x77: {  	_ =	shalt  }
0x78: {  	_ =	shalt  }
0x79: {  	_ =	shalt  }
0x7a: {  	_ =	shalt  }
0x7b: {  	_ =	shalt  }
0x7c: {  	_ =	shalt  }
0x7d: {  	_ =	shalt  }
0x7e: {  	_ =	shalt  }
0x7f: {  	_ =	shalt  }
0x80: {  	_ =	shalt  }
0x81: {  	_ =	shalt  }
0x82: {  	_ =	shalt  }
0x83: {  	_ =	shalt  }
0x84: {  	_ =	shalt  }
0x85: {  	_ =	shalt  }
0x86: {  	_ =	shalt  }
0x87: {  	_ =	shalt  }
.Lfunc_end0:
.L_simem_size_0:
called_computation.1_lowered:
.L_overlay_start_0:
0x88: {  	s2 =	sld [smem:$0x3FD9]  }
0x89: {  	s3 =	sld [smem:$0x3FFE];
	_ =	sdelay $0x1  }
0x8a: {  	s1 =	srdreg.scid  }
0x8b: {  	s0 =	sand.u32 $0x1, s1  }
0x8c: {  	s17 =	sshll.u32 s0, $0xA;
	s2 =	sadd.s32 s3, s2  }
0x8d: {  	s2 =	sadd.s32 s2, s17  }
0x8e: {  	[smem:$0x3FC6] =	sst s2  }
0x8f: {  	_ = 	snop  }
0x90: {  	s2 =	sld [smem:$0x3FC9]  }
0x91: {  	s18 =	sld [smem:$0x3FD0];
	(tm) =	ssettm $0x1  }
0x92: {  	s4 =	sld [smem:$0x3FFB];
	_ =	sdelay $0x3  }
0x93: {  	_ =	strace s4  }
0x94: {  	s4 =	sld [smem:$0x3FFC];
	_ =	sdelay $0x3  }
0x95: {  	_ =	strace s4  }
0x96: {  	s4 =	sld [smem:$0x3FFD];
	_ =	sdelay $0x3  }
0x97: {  	_ =	strace s4  }
0x98: {  	_ =	strace $0x8FFFFFFF  }
0x99: {  	s19 =	sld [smem:$0x3FDB];
	_ =	sdelay $0x1  }
0x9a: {  	s5 =	simm.s32 $_scs_section_size  }
0x9b: {  	s6 =	simm.s32 $_size__tile_overlayer_lowered;
	s7 =	simm.s32 $_tile_overlayer_lowered  }
0x9c: {  	s22 =	simm.s32 $0x1BFF;
	s21 =	sshll.u32 s7, $0x1;
	s4 =	sadd.s32 s5, s19  }
0x9d: {  	s8 =	simm.s32 $0x0;
	s20 =	sshll.u32 s6, $0x1;
	s6 =	sadd.s32 s21, s4  }
0x9e: {  	[timem:s8], [sflag:s22] =	dma.local [hbm:s6], s20  }
0x9f: {  	_ =	swait.ge [sflag:s22], s20  }
0xa0: {  	s5 =	ssub.s32 $0x0, s20;
	[sflag:s22] =	ssyncset.done $0x0  }
0xa1: {  	[sflag:s22] =	ssyncadd.s32 s5;
	_ =	sdelay $0x1  }
0xa2: {  	s23 =	simm.s32 $0x1B8B  }
0xa3: {  	_ =	swait.ge [sflag:s23], $0x1  }
0xa4: {  	[sflag:s23] =	ssyncset.done $0x0  }
0xa5: {  	s25 =	simm.s32 $0x1B8E;
	s24 =	sld [smem:$0x3FFE];
	[sflag:s23] =	ssyncadd.s32 $0xFFFFFFFF  }
0xa6: {  	s26 =	simm.s32 $execute0_lowered;
	[smem:$0x3FD2] =	sst s25  }
0xa7: {  	s6 =	sshll.u32 s26, $0x1;
	_ =	strace $0x80000046;
	[dreg:$0x1] =	wrdreg $0xFFFFFFFF  }
0xa8: {  	s28 =	simm.s32 $_size_execute0_lowered;
	s4 =	sadd.s32 s4, s6;
	[dreg:$0x0] =	wrdreg $0x0  }
0xa9: {  	s6 =	sshll.u32 s28, $0x1;
	[dreg:$0x2] =	wrdreg s4  }
0xaa: {  	[dreg:$0x3] =	wrdreg s6  }
0xab: {  	[dreg:$0x4] =	wrdreg $0xC0  }
0xac: {  	_ =	task [dreg:s8], $0x5FFFF  }
0xad: {  	[dreg:$0x1] =	wrdreg $0xFFFFFFFF  }
0xae: {  	[dreg:$0x0] =	wrdreg $0x60  }
0xaf: {  	[dreg:$0x2] =	wrdreg s24  }
0xb0: {  	[dreg:$0x3] =	wrdreg s2  }
0xb1: {  	[dreg:$0x4] =	wrdreg s18  }
0xb2: {  	[dreg:$0x5] =	wrdreg $0x9  }
0xb3: {  	_ =	task.clear_ibuf [dreg:s8], $0x6FFFF;
	_ =	strace $0x90000046  }
0xb4: {  	s29 =	simm.s32 $0x9;
	_ =	strace $0x80000048  }
0xb5: {  	_ =	swait.ge [sflag:s29], $0x1  }
0xb6: {  	[sflag:s29] =	ssyncadd.s32 $0xFFFFFFFF  }
0xb7: {  	_ =	strace $0x90000048  }
0xb8: {  	_ =	sfence  }
0xb9: {  	s30 =	sld [smem:$0x0];
	_ =	sdelay $0x2  }
0xba: {  	s31 =	sshll.u32 s1, $0xD;
	s1 =	sshrl.u32 s1, $0x2  }
0xbb: {  	s3 =	sand.u32 $0x4000, s31;
	s1 =	sadd.s32 s1, s30  }
0xbc: {  	s0 =	sor.u32 s3, s0;
	s1 =	sshll.u32 s1, $0x11  }
0xbd: {  	s0 =	sor.u32 s1, s0  }
0xbe: {  	s0 =	sadd.s32 $0x8F2B, s0  }
0xbf: {  	[sflag:s0] =	ssyncadd.remote.s32 $0x1  }
0xc0: {  	_ =	sfence.sel $0xFFFF  }
0xc1: {  	[dreg:$0x0] =	wrdreg $0xFFFFFFFF;
	(pc) =	sbr.abs _section_cstart, $3  }
0xc2: {  	[dreg:$0x1] =	wrdreg $0xFFFFFFFF  }
0xc3: {  	_ =	task.clear_ibuf [dreg:s8], $0x2FFFF;
	_ =	strace $0x9FFFFFFF  }
0xc4: {  	(tm) =	ssettm $0x7FFFFFFF  }
0xc5: {  	_ =	shalt  }
tec
execute0_lowered:
.L_overlay_start_1:
0x0: {  	(tag) =	ssettag $0x1  }
0x1: {  	s0 =	srdreg.scid;
	s9 =	stileid.u32  }
0x2: {  	s0 =	sand.u32 $0x1, s0;
	s17 =	smul.u32 $0x320000, s9  }
0x3: {  	s1 =	rddreg [dreg:$0x0];
	s15 =	smul.u32 $0x3200, s0  }
0x4: {  	s4 =	rddreg [dreg:$0x1];
	s2 =	sshll.u32 s9, $0x1;
	s20 =	smul.u32 $0x6400, s0  }
0x5: {  	s2 =	sor.u32 s0, s2;
	s6 =	ssub.s32 $0x2, s0;
	s0 =	smul.u32 $0x190000, s0  }
0x6: {  	s5 =	rddreg [dreg:$0x2];
	s3 =	smul.u32 $0x3200, s2;
	s2 =	simm.s32 $0x0  }
0x7: {  	s26 =	sshrl.u32 s6, $0x1;
	[smem:$0x7FF] =	sst s2;
	s0 =	sadd.s32 s0, s17  }
0x8: {  	s3 =	sshrl.u32 s3, $0x2;
	_ =	strace $0x80000047;
	s0 =	sshrl.u32 s0, $0x3  }
0x9: {  	s7 =	sand.u32 $0x1FE00, s3;
	s3 =	sadd.s32 $0xF80800, s1;
	s0 =	sadd.s32 s0, s5  }
0xa: {  	s1 =	ssub.s32 s6, s26;
	s26 =	simm.s32 $0x1B400;
	[dreg:$0x16] =	wrdreg s0  }
0xb: {  	s29 =	simm.s32 $0x11400;
	s4 =	sadd.s32 s4, s7;
	[dreg:$0x4] =	wrdreg s26  }
0xc: {  	s28 =	simm.s32 $0x15400;
	s1 =	smax.u32 s1, $0x1;
	[dreg:$0x5] =	wrdreg s4  }
0xd: {  	s30 =	simm.s32 $0x2;
	s7 =	sadd.s32 $0x100, s4;
	[dreg:$0x13] =	wrdreg s1  }
0xe: {  	s31 =	simm.s32 $0x6;
	s8 =	sadd.s32 $0x200, s4;
	[dreg:$0x6] =	wrdreg s7  }
0xf: {  	s19 =	smul.u32 $0xC800, s9;
	s10 =	sadd.s32 $0x300, s4;
	[dreg:$0x7] =	wrdreg s8  }
0x10: {  	s9 =	sshll.u32 s9, $0xA;
	s11 =	sadd.s32 $0x400, s4;
	[dreg:$0x8] =	wrdreg s10  }
0x11: {  	s22 =	sadd.s32 s20, s19;
	s12 =	sadd.s32 $0x500, s4;
	[dreg:$0x9] =	wrdreg s11  }
0x12: {  	s6 =	ssub.s32 s15, s9;
	s13 =	sadd.s32 $0x600, s4;
	[dreg:$0xa] =	wrdreg s12  }
0x13: {  	s9 =	simm.s32 $0x5;
	s14 =	sadd.s32 $0x700, s4;
	[dreg:$0xb] =	wrdreg s13  }
0x14: {  	s21 =	sand.u32 $0x600, s6;
	s16 =	sadd.s32 $0x900, s4;
	[dreg:$0xc] =	wrdreg s14  }
0x15: {  	s6 =	sshll.u32 s22, $0x3;
	s18 =	sadd.s32 $0xB00, s4;
	[dreg:$0xe] =	wrdreg s16  }
0x16: {  	s0 =	simm.s32 $0x80;
	s23 =	sadd.s32 $0x6400, s21;
	[dreg:$0x10] =	wrdreg s18  }
0x17: {  	s26 =	simm.s32 $0x19400;
	s1 =	sadd.s32 $0x9C00, s21;
	[dreg:$0x14] =	wrdreg s23  }
0x18: {  	s24 =	sadd.s32 s6, s5;
	s7 =	sadd.s32 $0x800, s4;
	[dreg:$0x15] =	wrdreg s1  }
0x19: {  	s5 =	simm.s32 $0x3;
	s8 =	sadd.s32 $0xA00, s4;
	[dreg:$0xd] =	wrdreg s7  }
0x1a: {  	v0 =	vlaneseq.u32;
	s6 =	simm.s32 $0x7;
	s10 =	sadd.s32 $0xC00, s4;
	[dreg:$0xf] =	wrdreg s8  }
0x1b: {  	v1 =	vand.u32 $0x3, v0;
	s4 =	sadd.s32 $0xD00, s4;
	s25 =	sadd.s32 $0x1000, s24;
	[dreg:$0x11] =	wrdreg s10  }
0x1c: {  	v0 =	vmul.u32 $0x2, v0;
	v1 =	vmul.u32 $0x2, v1;
	s23 =	sadd.s32 $0x800, s24;
	s18 =	sadd.s32 $0x1800, s24;
	[dreg:$0x12] =	wrdreg s4  }
0x1d: {  	s1 =	simm.s32 $0x1;
	s11 =	simm.s32 $0x0;
	[dreg:$0x17] =	wrdreg s25  }
0x1e: {  	v2 =	vor.u32 $0x1, v0;
	v1 =	vor.u32 $0xFFFFFFF8, v1;
	s25 =	simm.s32 $0xD400;
	s7 =	simm.s32 $0x4;
	s8 =	simm.s32 $0x8  }
.LBB2_1:
0x1f: {  	s4 =	rddreg [dreg:$0x5];
	s10 =	simm.s32 $0x6400  }
0x20: {  	[tilespmem:s10], [sflag:$0x1] =	stream.linear.gather [hbm4b:s4+s2], $0x800, $0x38;
	[tilespmem:$0x1D400] =	vst v63  }
0x21: {  	s22 =	rddreg [dreg:$0x6];
	s24 =	simm.s32 $0x9C00  }
0x22: {  	[tilespmem:s24], [sflag:$0x1] =	stream.linear.gather [hbm4b:s22+s2], $0x800, $0x38;
	[tilespmem:$0x1D400] =	vst v63  }
0x23: {  	s12 =	simm.s32 $0x6C00;
	s10 =	rddreg [dreg:$0x7]  }
0x24: {  	[tilespmem:s12], [sflag:$0x1] =	stream.linear.gather [hbm4b:s10+s2], $0x800, $0x38;
	[tilespmem:$0x1D400] =	vst v63  }
0x25: {  	s13 =	rddreg [dreg:$0x8];
	s14 =	simm.s32 $0xA400  }
0x26: {  	[tilespmem:s14], [sflag:$0x1] =	stream.linear.gather [hbm4b:s13+s2], $0x800, $0x38;
	[tilespmem:$0x1D400] =	vst v63  }
0x27: {  	s15 =	rddreg [dreg:$0x9];
	s16 =	simm.s32 $0x7400  }
0x28: {  	[tilespmem:s16], [sflag:$0x1] =	stream.linear.gather [hbm4b:s15+s2], $0x800, $0x38;
	[tilespmem:$0x1D400] =	vst v63  }
0x29: {  	s17 =	rddreg [dreg:$0xa];
	s19 =	simm.s32 $0xAC00  }
0x2a: {  	[tilespmem:s19], [sflag:$0x1] =	stream.linear.gather [hbm4b:s17+s2], $0x800, $0x38;
	[tilespmem:$0x1D400] =	vst v63  }
0x2b: {  	s20 =	rddreg [dreg:$0xb];
	s21 =	simm.s32 $0x7C00  }
0x2c: {  	[tilespmem:s21], [sflag:$0x1] =	stream.linear.gather [hbm4b:s20+s2], $0x800, $0x38;
	[tilespmem:$0x1D400] =	vst v63  }
0x2d: {  	s22 =	rddreg [dreg:$0xc];
	s24 =	simm.s32 $0xB400  }
0x2e: {  	[tilespmem:s24], [sflag:$0x1] =	stream.linear.gather [hbm4b:s22+s2], $0x800, $0x38;
	[tilespmem:$0x1D400] =	vst v63  }
0x2f: {  	s10 =	rddreg [dreg:$0xd];
	s12 =	simm.s32 $0x8400  }
0x30: {  	[tilespmem:s12], [sflag:$0x1] =	stream.linear.gather [hbm4b:s10+s2], $0x800, $0x38;
	[tilespmem:$0x1D400] =	vst v63  }
0x31: {  	s13 =	rddreg [dreg:$0xe];
	s14 =	simm.s32 $0xBC00  }
0x32: {  	[tilespmem:s14], [sflag:$0x1] =	stream.linear.gather [hbm4b:s13+s2], $0x800, $0x38;
	[tilespmem:$0x1D400] =	vst v63  }
0x33: {  	s15 =	rddreg [dreg:$0xf];
	s16 =	simm.s32 $0x8C00  }
0x34: {  	[tilespmem:s16], [sflag:$0x1] =	stream.linear.gather [hbm4b:s15+s2], $0x800, $0x38;
	[tilespmem:$0x1D400] =	vst v63  }
0x35: {  	s17 =	rddreg [dreg:$0x10];
	s19 =	simm.s32 $0xC400  }
0x36: {  	[tilespmem:s19], [sflag:$0x1] =	stream.linear.gather [hbm4b:s17+s2], $0x800, $0x38;
	[tilespmem:$0x1D400] =	vst v63  }
0x37: {  	s20 =	rddreg [dreg:$0x11];
	s21 =	simm.s32 $0x9400  }
0x38: {  	[tilespmem:s21], [sflag:$0x1] =	stream.linear.gather [hbm4b:s20+s2], $0x800, $0x38;
	[tilespmem:$0x1D400] =	vst v63  }
0x39: {  	s22 =	rddreg [dreg:$0x12];
	s24 =	simm.s32 $0xCC00  }
0x3a: {  	[tilespmem:s24], [sflag:$0x1] =	stream.linear.gather [hbm4b:s22+s2], $0x800, $0x38;
	[tilespmem:$0x1D400] =	vst v63  }
0x3b: {  	_ =	swait.ge [sflag:s1], $0x3800  }
0x3c: {  	[sflag:s1] =	ssyncset.done $0x0  }
0x3d: {  	[sflag:s1] =	ssyncadd.s32 $0xFFFFC800  }
0x3e: {  	_ =	swait.ge [sflag:s1], $0x3800  }
0x3f: {  	[sflag:s1] =	ssyncset.done $0x0  }
0x40: {  	s14 =	rddreg [dreg:$0x14];
	[sflag:s1] =	ssyncadd.s32 $0xFFFFC800  }
0x41: {  	s15 =	rddreg [dreg:$0x15];
	v4 =	vld [tilespmem:s14+$0x0]  }
0x42: {  	s12 =	simm.s32 $0x0;
	s13 =	simm.s32 $0x20;
	v3 =	vld [tilespmem:s15+$0x0]  }
.LBB2_2:
0x43: {  	p0 =	sne.s32 s13, $0x63E0;
	v5 =	vor.u32 s12, v0  }
0x44: {  	v5 =	vand.u32 v1, v5  }
0x45: {  	v6 =	vor.u32 s12, v2;
	s12 =	smov.u32 s13  }
0x46: {  	v7 =	vshll.u32 v4, $0x1  }
0x47: {  	vm0 =	vlt.s32 v4, $0x7C000;
	v4 =	vadd.s32 $0xFFF08001, v7;
	v8 =	vshll.u32 v3, $0x1  }
.Ltmp0:
0x48: {  	v4 =	vsel vm0, v7, v4;
	vm0 =	vlt.s32 v3, $0x7C000;
	v3 =	vadd.s32 $0xFFF08001, v8;
	(pc) =	sbr.rel @p0 .LBB2_2-.Ltmp0, $4  }
0x49: {  	v3 =	vsel vm0, v8, v3;
	[tilespmem:v5+s2+$0x0] =	vst.idx.msk $0xffff, v4  }
0x4a: {  	s14 =	sadd.s32 $0x10, s14;
	[tilespmem:v6+s2+$0x0] =	vst.idx.msk $0xffff, v3  }
0x4b: {  	s15 =	sadd.s32 $0x10, s15;
	v4 =	vld [tilespmem:s14+$0x0]  }
0x4c: {  	s13 =	sadd.s32 $0x20, s13;
	v3 =	vld [tilespmem:s15+$0x0]  }
0x4d: {  	v5 =	vor.u32 s12, v0  }
0x4e: {  	v5 =	vand.u32 v1, v5  }
0x4f: {  	v6 =	vor.u32 s12, v2  }
0x50: {  	v7 =	vshll.u32 v4, $0x1  }
0x51: {  	vm0 =	vlt.s32 v4, $0x7C000;
	v63 =	vadd.s32 $0xFFF08001, v7;
	v8 =	vshll.u32 v3, $0x1  }
0x52: {  	vm15 =	vlt.s32 v3, $0x7C000;
	v4 =	vsel vm0, v7, v63;
	v3 =	vadd.s32 $0xFFF08001, v8  }
0x53: {  	v3 =	vsel vm15, v8, v3;
	[tilespmem:v5+s2+$0x0] =	vst.idx.msk $0xffff, v4  }
0x54: {  	s13 =	simm.s32 $0x0;
	[tilespmem:v6+s2+$0x0] =	vst.idx.msk $0xffff, v3  }
0x55: {  	[tilespmem:s25], [sflag:$0x2] =	stream.indirect.gather [hbm4b:s3+s0], $0x40, s13, s0, $0xb8;
	[tilespmem:$0x1D400] =	vst v63  }
0x56: {  	s4 =	simm.s32 $0xF400  }
0x57: {  	[tilespmem:s4], [sflag:$0x2] =	stream.indirect.gather [hbm4b:s3+s0], $0x40, s0, s0, $0xb8;
	[tilespmem:$0x1D400] =	vst v63  }
0x58: {  	s14 =	simm.s32 $0x100  }
0x59: {  	[tilespmem:s29], [sflag:$0x3] =	stream.indirect.gather [hbm4b:s3+s0], $0x40, s14, s0, $0xb8;
	[tilespmem:$0x1D400] =	vst v63  }
0x5a: {  	s15 =	simm.s32 $0x180;
	s10 =	simm.s32 $0x13400;
	p0 =	por $0x1, $0x1  }
0x5b: {  	[tilespmem:s10], [sflag:$0x3] =	stream.indirect.gather [hbm4b:s3+s0], $0x40, s15, s0, $0xb8;
	[tilespmem:$0x1D400] =	vst v63  }
0x5c: {  	s16 =	simm.s32 $0x200;
	p0 =	por p0, p0  }
0x5d: {  	[tilespmem:s28], [sflag:$0x4] =	stream.indirect.gather [hbm4b:s3+s0], $0x40, s16, s0, $0xb8;
	[tilespmem:$0x1D400] =	vst v63  }
0x5e: {  	s17 =	simm.s32 $0x280;
	s19 =	simm.s32 $0x17400;
	s12 =	simm.s32 @!p0 $0x9  }
0x5f: {  	[tilespmem:s19], [sflag:$0x4] =	stream.indirect.gather [hbm4b:s3+s0], $0x40, s17, s0, $0xb8;
	[tilespmem:$0x1D400] =	vst v63  }
0x60: {  	_ =	swait.ge @!p0 [sflag:s12], $0x4000  }
0x61: {  	[sflag:s12] =	ssyncset.done @!p0 $0x0  }
0x62: {  	s20 =	simm.s32 $0x300;
	[sflag:s12] =	ssyncadd.s32 @!p0 $0xFFFFC000  }
0x63: {  	[tilespmem:s26], [sflag:$0x5] =	stream.indirect.gather [hbm4b:s3+s0], $0x40, s20, s0, $0xb8;
	[tilespmem:$0x1D400] =	vst v63  }
0x64: {  	s21 =	simm.s32 $0x380;
	s13 =	rddreg [dreg:$0x4]  }
0x65: {  	[tilespmem:s13], [sflag:$0x5] =	stream.indirect.gather [hbm4b:s3+s0], $0x40, s21, s0, $0xb8;
	[tilespmem:$0x1D400] =	vst v63  }
0x66: {  	_ =	swait.ge [sflag:s30], $0x4000  }
0x67: {  	[sflag:s30] =	ssyncset.done $0x0  }
0x68: {  	s22 =	rddreg [dreg:$0x16];
	[sflag:s30] =	ssyncadd.s32 $0xFFFFC000  }
0x69: {  	[hbm4b:s22+s2] =	stream.linear.scatter [tilespmem:s25], [sflag:$0x6], $0x4000, $0x38;
	[tilespmem:$0x1D400] =	vst v63  }
0x6a: {  	p0 =	por $0x0, $0x0;
	_ =	swait.ge [sflag:s31], $0x4000  }
0x6b: {  	s12 =	simm.s32 @!p0 $0xD400;
	[sflag:s31] =	ssyncset.done $0x0  }
0x6c: {  	s14 =	simm.s32 @!p0 $0x80;
	s13 =	simm.s32 @!p0 $0x400;
	[sflag:s31] =	ssyncadd.s32 $0xFFFFC000  }
0x6d: {  	[tilespmem:s12], [sflag:$0x2] =	stream.indirect.gather @!p0 [hbm4b:s3+s14], $0x40, s13, s14, $0xb8;
	[tilespmem:$0x1D400] =	vst v63  }
0x6e: {  	s12 =	simm.s32 @!p0 $0x480;
	s13 =	simm.s32 @!p0 $0xF400  }
0x6f: {  	[tilespmem:s13], [sflag:$0x2] =	stream.indirect.gather @!p0 [hbm4b:s3+s14], $0x40, s12, s14, $0xb8;
	[tilespmem:$0x1D400] =	vst v63  }
0x70: {  	_ =	swait.ge [sflag:s5], $0x4000  }
0x71: {  	[sflag:s5] =	ssyncset.done $0x0  }
0x72: {  	[sflag:s5] =	ssyncadd.s32 $0xFFFFC000  }
0x73: {  	[hbm4b:s23+s2] =	stream.linear.scatter [tilespmem:s29], [sflag:$0x7], $0x4000, $0x38;
	[tilespmem:$0x1D400] =	vst v63  }
0x74: {  	_ =	swait.ge [sflag:s6], $0x4000  }
0x75: {  	[sflag:s6] =	ssyncset.done $0x0  }
0x76: {  	s12 =	simm.s32 @!p0 $0x500;
	s13 =	simm.s32 @!p0 $0x11400;
	[sflag:s6] =	ssyncadd.s32 $0xFFFFC000  }
0x77: {  	[tilespmem:s13], [sflag:$0x3] =	stream.indirect.gather @!p0 [hbm4b:s3+s14], $0x40, s12, s14, $0xb8;
	[tilespmem:$0x1D400] =	vst v63  }
0x78: {  	s12 =	simm.s32 @!p0 $0x580;
	s13 =	simm.s32 @!p0 $0x13400  }
0x79: {  	[tilespmem:s13], [sflag:$0x3] =	stream.indirect.gather @!p0 [hbm4b:s3+s14], $0x40, s12, s14, $0xb8;
	[tilespmem:$0x1D400] =	vst v63  }
0x7a: {  	_ =	swait.ge [sflag:s7], $0x4000  }
0x7b: {  	[sflag:s7] =	ssyncset.done $0x0  }
0x7c: {  	s24 =	rddreg [dreg:$0x17];
	[sflag:s7] =	ssyncadd.s32 $0xFFFFC000  }
0x7d: {  	[hbm4b:s24+s2] =	stream.linear.scatter [tilespmem:s28], [sflag:$0x8], $0x4000, $0x38;
	[tilespmem:$0x1D400] =	vst v63  }
0x7e: {  	_ =	swait.ge [sflag:s8], $0x4000  }
0x7f: {  	p1 =	por $0x0, $0x0;
	s15 =	simm.s32 $0x1000;
	[sflag:s8] =	ssyncset.done $0x0  }
0x80: {  	s12 =	simm.s32 @!p0 $0x600;
	s13 =	simm.s32 @!p0 $0x15400;
	[sflag:s8] =	ssyncadd.s32 $0xFFFFC000  }
0x81: {  	[tilespmem:s13], [sflag:$0x4] =	stream.indirect.gather @!p0 [hbm4b:s3+s14], $0x40, s12, s14, $0xb8;
	[tilespmem:$0x1D400] =	vst v63  }
0x82: {  	s17 =	simm.s32 $0x2000;
	s12 =	simm.s32 @!p0 $0x680;
	s13 =	simm.s32 @!p0 $0x17400  }
0x83: {  	[tilespmem:s13], [sflag:$0x4] =	stream.indirect.gather @!p0 [hbm4b:s3+s14], $0x40, s12, s14, $0xb8;
	[tilespmem:$0x1D400] =	vst v63  }
0x84: {  	s16 =	sadd.s32 $0x2000, s22;
	p0 =	por p1, p1;
	_ =	swait.ge [sflag:s9], $0x4000  }
0x85: {  	s14 =	sadd.s32 $0x2000, s23;
	s12 =	sadd.s32 $0x2000, s18;
	[sflag:s9] =	ssyncset.done $0x0  }
0x86: {  	s13 =	sadd.s32 $0x2000, s24;
	s24 =	smov.u32 s18;
	[sflag:s9] =	ssyncadd.s32 $0xFFFFC000  }
.LBB2_4:
0x87: {  	[hbm4b:s24+s2] =	stream.linear.scatter [tilespmem:s26], [sflag:$0x9], $0x4000, $0x38;
	[tilespmem:$0x1D400] =	vst v63  }
0x88: {  	s10 =	simm.s32 @!p0 $0x9  }
0x89: {  	_ =	swait.ge @!p0 [sflag:s10], $0x4000  }
0x8a: {  	s19 =	sshra.s32 s15, $0x2;
	[sflag:s10] =	ssyncset.done @!p0 $0x0  }
0x8b: {  	s20 =	sadd.s32 $0x300, s19;
	[sflag:s10] =	ssyncadd.s32 @!p0 $0xFFFFC000  }
0x8c: {  	[tilespmem:s26], [sflag:$0x5] =	stream.indirect.gather [hbm4b:s3+s0], $0x40, s20, s0, $0xb8;
	[tilespmem:$0x1D400] =	vst v63  }
0x8d: {  	s22 =	sadd.s32 $0x380, s19;
	s21 =	rddreg [dreg:$0x4]  }
0x8e: {  	[tilespmem:s21], [sflag:$0x5] =	stream.indirect.gather [hbm4b:s3+s0], $0x40, s22, s0, $0xb8;
	[tilespmem:$0x1D400] =	vst v63  }
0x8f: {  	_ =	swait.ge [sflag:s30], $0x4000  }
0x90: {  	s4 =	smov.u32 s17;
	[sflag:s30] =	ssyncset.done $0x0  }
0x91: {  	p2 =	seq.s32 s4, $0x0;
	[sflag:s30] =	ssyncadd.s32 $0xFFFFC000  }
0x92: {  	[hbm4b:s16+s2] =	stream.linear.scatter [tilespmem:s25], [sflag:$0x6], $0x4000, $0x38;
	[tilespmem:$0x1D400] =	vst v63  }
0x93: {  	p0 =	por p2, p2;
	p2 =	seq.s32 s15, $0x18000;
	_ =	swait.ge [sflag:s31], $0x4000  }
0x94: {  	s10 =	sshra.s32 @!p2 s15, $0x2;
	s15 =	simm.s32 @!p2 $0xD400;
	[sflag:s31] =	ssyncset.done $0x0  }
0x95: {  	s19 =	sadd.s32 @!p2 $0x400, s10;
	s21 =	simm.s32 @!p2 $0x80;
	[sflag:s31] =	ssyncadd.s32 $0xFFFFC000  }
0x96: {  	[tilespmem:s15], [sflag:$0x2] =	stream.indirect.gather @!p2 [hbm4b:s3+s21], $0x40, s19, s21, $0xb8;
	[tilespmem:$0x1D400] =	vst v63  }
0x97: {  	s15 =	sadd.s32 @!p2 $0x480, s10;
	s19 =	simm.s32 @!p2 $0xF400  }
0x98: {  	[tilespmem:s19], [sflag:$0x2] =	stream.indirect.gather @!p2 [hbm4b:s3+s21], $0x40, s15, s21, $0xb8;
	[tilespmem:$0x1D400] =	vst v63  }
0x99: {  	_ =	swait.ge [sflag:s5], $0x4000  }
0x9a: {  	[sflag:s5] =	ssyncset.done $0x0  }
0x9b: {  	[sflag:s5] =	ssyncadd.s32 $0xFFFFC000  }
0x9c: {  	[hbm4b:s14+s2] =	stream.linear.scatter [tilespmem:s29], [sflag:$0x7], $0x4000, $0x38;
	[tilespmem:$0x1D400] =	vst v63  }
0x9d: {  	_ =	swait.ge [sflag:s6], $0x4000  }
0x9e: {  	s20 =	sadd.s32 @!p2 $0x500, s10;
	[sflag:s6] =	ssyncset.done $0x0  }
0x9f: {  	s15 =	smov.u32 s4;
	s4 =	simm.s32 @!p2 $0x11400;
	[sflag:s6] =	ssyncadd.s32 $0xFFFFC000  }
0xa0: {  	[tilespmem:s4], [sflag:$0x3] =	stream.indirect.gather @!p2 [hbm4b:s3+s21], $0x40, s20, s21, $0xb8;
	[tilespmem:$0x1D400] =	vst v63  }
0xa1: {  	s19 =	sadd.s32 @!p2 $0x580, s10;
	s4 =	simm.s32 @!p2 $0x13400  }
0xa2: {  	[tilespmem:s4], [sflag:$0x3] =	stream.indirect.gather @!p2 [hbm4b:s3+s21], $0x40, s19, s21, $0xb8;
	[tilespmem:$0x1D400] =	vst v63  }
0xa3: {  	_ =	swait.ge [sflag:s7], $0x4000  }
0xa4: {  	[sflag:s7] =	ssyncset.done $0x0  }
0xa5: {  	[sflag:s7] =	ssyncadd.s32 $0xFFFFC000  }
0xa6: {  	[hbm4b:s13+s2] =	stream.linear.scatter [tilespmem:s28], [sflag:$0x8], $0x4000, $0x38;
	[tilespmem:$0x1D400] =	vst v63  }
0xa7: {  	s17 =	sadd.s32 $0x1000, s17;
	_ =	swait.ge [sflag:s8], $0x4000  }
0xa8: {  	p1 =	sne.s32 s17, $0x19000;
	[sflag:s8] =	ssyncset.done $0x0  }
0xa9: {  	s22 =	sadd.s32 @!p2 $0x600, s10;
	s4 =	simm.s32 @!p2 $0x15400;
	[sflag:s8] =	ssyncadd.s32 $0xFFFFC000  }
0xaa: {  	[tilespmem:s4], [sflag:$0x4] =	stream.indirect.gather @!p2 [hbm4b:s3+s21], $0x40, s22, s21, $0xb8;
	[tilespmem:$0x1D400] =	vst v63  }
.Ltmp1:
0xab: {  	s10 =	sadd.s32 @!p2 $0x680, s10;
	s4 =	simm.s32 @!p2 $0x17400;
	(pc) =	sbr.rel @p1 .LBB2_4-.Ltmp1, $4  }
0xac: {  	[tilespmem:s4], [sflag:$0x4] =	stream.indirect.gather @!p2 [hbm4b:s3+s21], $0x40, s10, s21, $0xb8;
	[tilespmem:$0x1D400] =	vst v63  }
0xad: {  	s24 =	smov.u32 s12;
	_ =	swait.ge [sflag:s9], $0x4000  }
0xae: {  	s12 =	sadd.s32 $0x2000, s12;
	s16 =	sadd.s32 $0x2000, s16;
	[sflag:s9] =	ssyncset.done $0x0  }
0xaf: {  	s14 =	sadd.s32 $0x2000, s14;
	s13 =	sadd.s32 $0x2000, s13;
	[sflag:s9] =	ssyncadd.s32 $0xFFFFC000  }
0xb0: {  	[hbm4b:s24+s2] =	stream.linear.scatter [tilespmem:s26], [sflag:$0x9], $0x4000, $0x38;
	[tilespmem:$0x1D400] =	vst v63  }
0xb1: {  	s4 =	simm.s32 @!p0 $0x9  }
0xb2: {  	_ =	swait.ge @!p0 [sflag:s4], $0x4000  }
0xb3: {  	s10 =	sshra.s32 s15, $0x2;
	[sflag:s4] =	ssyncset.done @!p0 $0x0  }
0xb4: {  	s20 =	sadd.s32 $0x300, s10;
	[sflag:s4] =	ssyncadd.s32 @!p0 $0xFFFFC000  }
0xb5: {  	[tilespmem:s26], [sflag:$0x5] =	stream.indirect.gather [hbm4b:s3+s0], $0x40, s20, s0, $0xb8;
	[tilespmem:$0x1D400] =	vst v63  }
0xb6: {  	s21 =	sadd.s32 $0x380, s10;
	s17 =	rddreg [dreg:$0x4]  }
0xb7: {  	[tilespmem:s17], [sflag:$0x5] =	stream.indirect.gather [hbm4b:s3+s0], $0x40, s21, s0, $0xb8;
	[tilespmem:$0x1D400] =	vst v63  }
0xb8: {  	_ =	swait.ge [sflag:s30], $0x4000  }
0xb9: {  	[sflag:s30] =	ssyncset.done $0x0  }
0xba: {  	[sflag:s30] =	ssyncadd.s32 $0xFFFFC000  }
0xbb: {  	[hbm4b:s16+s2] =	stream.linear.scatter [tilespmem:s25], [sflag:$0x6], $0x4000, $0x38;
	[tilespmem:$0x1D400] =	vst v63  }
0xbc: {  	p0 =	seq.s32 s15, $0x18000;
	_ =	swait.ge [sflag:s31], $0x4000  }
0xbd: {  	s4 =	sshra.s32 @!p0 s15, $0x2;
	s10 =	simm.s32 @!p0 $0xD400;
	[sflag:s31] =	ssyncset.done $0x0  }
0xbe: {  	s15 =	sadd.s32 @!p0 $0x400, s4;
	s16 =	simm.s32 @!p0 $0x80;
	[sflag:s31] =	ssyncadd.s32 $0xFFFFC000  }
0xbf: {  	[tilespmem:s10], [sflag:$0x2] =	stream.indirect.gather @!p0 [hbm4b:s3+s16], $0x40, s15, s16, $0xb8;
	[tilespmem:$0x1D400] =	vst v63  }
0xc0: {  	s10 =	sadd.s32 @!p0 $0x480, s4;
	s15 =	simm.s32 @!p0 $0xF400  }
0xc1: {  	[tilespmem:s15], [sflag:$0x2] =	stream.indirect.gather @!p0 [hbm4b:s3+s16], $0x40, s10, s16, $0xb8;
	[tilespmem:$0x1D400] =	vst v63  }
0xc2: {  	_ =	swait.ge [sflag:s5], $0x4000  }
0xc3: {  	[sflag:s5] =	ssyncset.done $0x0  }
0xc4: {  	[sflag:s5] =	ssyncadd.s32 $0xFFFFC000  }
0xc5: {  	[hbm4b:s14+s2] =	stream.linear.scatter [tilespmem:s29], [sflag:$0x7], $0x4000, $0x38;
	[tilespmem:$0x1D400] =	vst v63  }
0xc6: {  	_ =	swait.ge [sflag:s6], $0x4000  }
0xc7: {  	[sflag:s6] =	ssyncset.done $0x0  }
0xc8: {  	s10 =	sadd.s32 @!p0 $0x500, s4;
	s14 =	simm.s32 @!p0 $0x11400;
	[sflag:s6] =	ssyncadd.s32 $0xFFFFC000  }
0xc9: {  	[tilespmem:s14], [sflag:$0x3] =	stream.indirect.gather @!p0 [hbm4b:s3+s16], $0x40, s10, s16, $0xb8;
	[tilespmem:$0x1D400] =	vst v63  }
0xca: {  	s10 =	sadd.s32 @!p0 $0x580, s4;
	s14 =	simm.s32 @!p0 $0x13400  }
0xcb: {  	[tilespmem:s14], [sflag:$0x3] =	stream.indirect.gather @!p0 [hbm4b:s3+s16], $0x40, s10, s16, $0xb8;
	[tilespmem:$0x1D400] =	vst v63  }
0xcc: {  	_ =	swait.ge [sflag:s7], $0x4000  }
0xcd: {  	[sflag:s7] =	ssyncset.done $0x0  }
0xce: {  	[sflag:s7] =	ssyncadd.s32 $0xFFFFC000  }
0xcf: {  	[hbm4b:s13+s2] =	stream.linear.scatter [tilespmem:s28], [sflag:$0x8], $0x4000, $0x38;
	[tilespmem:$0x1D400] =	vst v63  }
0xd0: {  	_ =	swait.ge [sflag:s8], $0x4000  }
0xd1: {  	[sflag:s8] =	ssyncset.done $0x0  }
0xd2: {  	s10 =	sadd.s32 @!p0 $0x600, s4;
	s13 =	simm.s32 @!p0 $0x15400;
	[sflag:s8] =	ssyncadd.s32 $0xFFFFC000  }
0xd3: {  	[tilespmem:s13], [sflag:$0x4] =	stream.indirect.gather @!p0 [hbm4b:s3+s16], $0x40, s10, s16, $0xb8;
	[tilespmem:$0x1D400] =	vst v63  }
0xd4: {  	s4 =	sadd.s32 @!p0 $0x680, s4;
	s10 =	simm.s32 @!p0 $0x17400  }
0xd5: {  	[tilespmem:s10], [sflag:$0x4] =	stream.indirect.gather @!p0 [hbm4b:s3+s16], $0x40, s4, s16, $0xb8;
	[tilespmem:$0x1D400] =	vst v63  }
0xd6: {  	_ =	swait.ge [sflag:s9], $0x4000  }
0xd7: {  	[sflag:s9] =	ssyncset.done $0x0  }
0xd8: {  	s22 =	simm.s32 $0x9;
	[sflag:s9] =	ssyncadd.s32 $0xFFFFC000  }
0xd9: {  	[hbm4b:s12+s2] =	stream.linear.scatter [tilespmem:s26], [sflag:$0x9], $0x4000, $0x38;
	[tilespmem:$0x1D400] =	vst v63  }
0xda: {  	_ =	swait.ge [sflag:s22], $0x4000  }
0xdb: {  	s11 =	sadd.s32 $0x1, s11;
	s24 =	rddreg [dreg:$0x13]  }
0xdc: {  	p0 =	sne.s32 s11, s24  }
.Ltmp2:
0xdd: {  	_ = 	snop;
	(pc) =	sbr.rel @p0 .LBB2_1-.Ltmp2, $3  }
0xde: {  	_ =	sdelay $0x1  }
0xdf: {  	[sflag:s22] =	ssyncset.done $0x0  }
0xe0: {  	[sflag:s22] =	ssyncadd.s32 $0xFFFFC000  }
0xe1: {  	_ =	sfence.sel $0x180000  }
0xe2: {  	[bflag:$0x0] =	sbarrier.arrive $0xFFFF  }
0xe3: {  	_ =	strace $0x90000047  }
0xe4: {  	s0 =	stileid.u32;
	[bflag:$0x2] =	sbarrier.arrive $0xFFFF  }
0xe5: {  	p0 =	sne.s32 s0, $0x0;
	s0 =	rddreg [dreg:$0x3]  }
0xe6: {  	s0 =	sadd.s32 @!p0 $0x100000, s0  }
0xe7: {  	[sflag:s0] =	ssyncadd.tile.s32 @!p0 $0x1;
	_ =	shalt  }
.Lfunc_end2:
_tile_overlayer_lowered:
.L_overlay_start_2:
0xe8: {  	(tag) =	ssettag $0x2  }
0xe9: {  	s0 =	rddreg [dreg:$0x0];
	s2 =	stileid.u32  }
0xea: {  	s1 =	rddreg [dreg:$0x1];
	p0 =	sne.s32 s2, $0x0  }
0xeb: {  	s3 =	rddreg [dreg:$0x2];
	[bflag:$0x3] =	sbarrier.arrive $0xFFFF;
	s2 =	simm.s32 @!p0 $0x1C0A  }
0xec: {  	[timem:s3], [sflag:s2] =	dma.local @!p0 [hbm:s0], s1  }
0xed: {  	s0 =	simm.s32 @!p0 $0xA  }
0xee: {  	_ =	swait.ge @!p0 [sflag:s0], s1  }
0xef: {  	s1 =	ssub.s32 @!p0 $0x0, s1;
	[sflag:s0] =	ssyncset.done @!p0 $0x0  }
0xf0: {  	[sflag:s0] =	ssyncadd.s32 @!p0 s1  }
0xf1: {  	[bflag:$0x3] =	sbarrier.arrive $0xFFFF  }
0xf2: {  	_ =	shalt  }

// kernel: sparse-core-data-format-call.cloned.1.call-start
scs
called_computation_lowered:
.L_overlay_start_0:
0x0: {  	s2 =	sld [smem:$0x3FD9]  }
0x1: {  	s3 =	sld [smem:$0x3FFE];
	_ =	sdelay $0x1  }
0x2: {  	s1 =	srdreg.scid  }
0x3: {  	s0 =	sand.u32 $0x1, s1  }
0x4: {  	s18 =	sshll.u32 s0, $0xA;
	s2 =	sadd.s32 s3, s2  }
0x5: {  	s2 =	sadd.s32 s2, s18  }
0x6: {  	[smem:$0x3FC6] =	sst s2  }
0x7: {  	_ = 	snop  }
0x8: {  	s2 =	sld [smem:$0x3FD0];
	(tm) =	ssettm $0x1  }
0x9: {  	s19 =	sld [smem:$0x3FFB];
	_ =	sdelay $0x3  }
0xa: {  	_ =	strace s19  }
0xb: {  	s3 =	sld [smem:$0x3FFC];
	_ =	sdelay $0x3  }
0xc: {  	_ =	strace s3  }
0xd: {  	s3 =	sld [smem:$0x3FFD];
	_ =	sdelay $0x3  }
0xe: {  	_ =	strace s3  }
0xf: {  	_ =	strace $0x8FFFFFFF  }
0x10: {  	s20 =	sld [smem:$0x3FDB];
	_ =	sdelay $0x1  }
0x11: {  	s4 =	simm.s32 $_scs_section_size  }
0x12: {  	s5 =	simm.s32 $_size__tile_overlayer_lowered;
	s6 =	simm.s32 $_tile_overlayer_lowered  }
0x13: {  	s23 =	simm.s32 $0x1BFF;
	s22 =	sshll.u32 s6, $0x1;
	s3 =	sadd.s32 s4, s20  }
0x14: {  	s7 =	simm.s32 $0x0;
	s21 =	sshll.u32 s5, $0x1;
	s5 =	sadd.s32 s22, s3  }
0x15: {  	[timem:s7], [sflag:s23] =	dma.local [hbm:s5], s21  }
0x16: {  	_ =	swait.ge [sflag:s23], s21  }
0x17: {  	s4 =	ssub.s32 $0x0, s21;
	[sflag:s23] =	ssyncset.done $0x0  }
0x18: {  	[sflag:s23] =	ssyncadd.s32 s4;
	_ =	sdelay $0x1  }
0x19: {  	s24 =	simm.s32 $0x1B8B  }
0x1a: {  	_ =	swait.ge [sflag:s24], $0x1  }
0x1b: {  	[sflag:s24] =	ssyncset.done $0x0  }
0x1c: {  	s26 =	simm.s32 $0x1B8E;
	s25 =	sld [smem:$0x3FFE];
	[sflag:s24] =	ssyncadd.s32 $0xFFFFFFFF  }
0x1d: {  	s27 =	simm.s32 $execute0_lowered;
	[smem:$0x3FD2] =	sst s26  }
0x1e: {  	s5 =	sshll.u32 s27, $0x1;
	_ =	strace $0x80000049;
	[dreg:$0x1] =	wrdreg $0xFFFFFFFF  }
0x1f: {  	s28 =	simm.s32 $_size_execute0_lowered;
	s3 =	sadd.s32 s3, s5;
	[dreg:$0x0] =	wrdreg $0x0  }
0x20: {  	s5 =	sshll.u32 s28, $0x1;
	[dreg:$0x2] =	wrdreg s3  }
0x21: {  	[dreg:$0x3] =	wrdreg s5  }
0x22: {  	[dreg:$0x4] =	wrdreg $0xC0  }
0x23: {  	_ =	task [dreg:s7], $0x5FFFF  }
0x24: {  	[dreg:$0x1] =	wrdreg $0xFFFFFFFF  }
0x25: {  	[dreg:$0x0] =	wrdreg $0x60  }
0x26: {  	[dreg:$0x2] =	wrdreg s25  }
0x27: {  	[dreg:$0x3] =	wrdreg s2  }
0x28: {  	[dreg:$0x4] =	wrdreg $0x9  }
0x29: {  	_ =	task.clear_ibuf [dreg:s7], $0x5FFFF;
	_ =	strace $0x90000049  }
0x2a: {  	s29 =	simm.s32 $0x9;
	_ =	strace $0x8000004B  }
0x2b: {  	_ =	swait.ge [sflag:s29], $0x1  }
0x2c: {  	[sflag:s29] =	ssyncadd.s32 $0xFFFFFFFF  }
0x2d: {  	_ =	strace $0x9000004B  }
0x2e: {  	_ =	sfence  }
0x2f: {  	s30 =	sld [smem:$0x0];
	_ =	sdelay $0x2  }
0x30: {  	s31 =	sshll.u32 s1, $0xD;
	s1 =	sshrl.u32 s1, $0x2  }
0x31: {  	s3 =	sand.u32 $0x4000, s31;
	s1 =	sadd.s32 s1, s30  }
0x32: {  	s0 =	sor.u32 s3, s0;
	s1 =	sshll.u32 s1, $0x11  }
0x33: {  	s0 =	sor.u32 s1, s0  }
0x34: {  	s0 =	sadd.s32 $0x8F2B, s0  }
0x35: {  	[sflag:s0] =	ssyncadd.remote.s32 $0x1  }
0x36: {  	_ =	sfence.sel $0xFFFF  }
0x37: {  	[dreg:$0x0] =	wrdreg $0xFFFFFFFF;
	(pc) =	sbr.abs _section_cstart, $3  }
0x38: {  	[dreg:$0x1] =	wrdreg $0xFFFFFFFF  }
0x39: {  	_ =	task.clear_ibuf [dreg:s7], $0x2FFFF;
	_ =	strace $0x9FFFFFFF  }
0x3a: {  	(tm) =	ssettm $0x7FFFFFFF  }
0x3b: {  	_ =	shalt  }
tec
execute0_lowered:
.L_overlay_start_1:
0x0: {  	(tag) =	ssettag $0x1  }
0x1: {  	s0 =	srdreg.scid  }
0x2: {  	s1 =	sshll.u32 s0, $0x4  }
0x3: {  	s4 =	rddreg [dreg:$0x0];
	s0 =	stileid.u32;
	s1 =	sand.u32 $0x10, s1  }
0x4: {  	s2 =	rddreg [dreg:$0x1];
	s7 =	simm.s32 $0x1;
	s1 =	sor.u32 s0, s1  }
0x5: {  	s8 =	simm.s32 $0x2;
	s11 =	simm.s32 $0x0;
	s3 =	sshll.u32 s1, $0x7  }
0x6: {  	s10 =	simm.s32 $0x0;
	s4 =	sadd.s32 $0x800, s4;
	s6 =	ssub.s32 $0xC8000, s3  }
.Ltmp0:
0x7: {  	s1 =	rddreg [dreg:$0x2];
	s5 =	sand.u32 $0xF80, s6;
	(pc) =	sbr.rel .LBB1_1-.Ltmp0, $4  }
0x8: {  	_ =	strace $0x8000004A;
	s9 =	smov.u32 s3;
	p0 =	sne.s32 s5, $0x0  }
0x9: {  	s6 =	sshrl.u32 s6, $0xC;
	s5 =	simm.s32 $0x1;
	s7 =	simm.s32 @!p0 $0x0  }
0xa: {  	[sflag:s5] =	ssyncpa.u1 $0x0;
	p0 =	por $0x0, $0x0;
	s6 =	sadd.s32 s7, s6  }
0xb: {  	[sflag:s8] =	ssyncpa.u1 $0x0;
	s8 =	simm.s32 $0x640000;
	s7 =	sadd.s32 $0x1, s6  }
.LBB1_4:
0xc: {  	s14 =	sshll.u32 s11, $0x3  }
0xd: {  	s30 =	sand.u32 $0x7F, s11;
	s15 =	sand.u32 $0xFFFFFC00, s14  }
0xe: {  	s11 =	sor.u32 s30, s15  }
0xf: {  	s15 =	smulhi.u32 $0x51EB851F, s11  }
0x10: {  	s14 =	smulhi.u32 $0x51EB851F, s14  }
0x11: {  	s15 =	sshrl.u32 s15, $0x12  }
0x12: {  	s14 =	sshrl.u32 s14, $0x12;
	s15 =	smul.u32 $0xC8000, s15  }
0x13: {  	s14 =	sand.u32 $0x3F, s14  }
0x14: {  	s14 =	smul.u32 $0x19000, s14;
	s11 =	ssub.s32 s11, s15  }
0x15: {  	[tilespmem:s13+$0x810 ss:$0x81] =	vst.msk $0xffff, v2;
	s15 =	sand.u32 $0x7, s11  }
0x16: {  	[tilespmem:s13+$0x1020 ss:$0x81] =	vst.msk $0xffff, v0;
	s14 =	sadd.s32 s2, s14;
	s11 =	sshrl.u32 s11, $0x3;
	s15 =	sshll.u32 s15, $0x12  }
0x17: {  	[tilespmem:s13+$0x0 ss:$0x81] =	vst.msk $0xffff, v1;
	s11 =	sadd.s32 s11, s14;
	s31 =	sor.u32 $0x400, s15  }
0x18: {  	[hbm4b:s11+s31] =	stream.strided.scatter [tilespmem:s12], [sflag:$0x2], $0x2000, s8, s31, $0x20;
	[tilespmem:$0x8080] =	vst v63  }
.LBB1_5:
0x19: {  	s13 =	sadd.s32 $0x1000, s9  }
0x1a: {  	p2 =	sgt.s32 s13, $0xC7FFF  }
0x1b: {  	s13 =	smov.u32 @p2 s3;
	p2 =	sne.s32 s10, s7  }
.Ltmp1:
0x1c: {  	p1 =	slt.u32 s10, $0x2;
	(pc) =	sbr.rel @!p2 .LBB1_6-.Ltmp1, $4  }
0x1d: {  	s12 =	simm.s32 @!p1 $0x2  }
0x1e: {  	s14 =	sadd.s32 $0x1, s10;
	_ =	swait.ge @!p1 [sflag:s12], $0x2000  }
0x1f: {  	s11 =	smov.u32 s9;
	p0 =	por !p0, !p0;
	[sflag:s12] =	ssyncset.done @!p1 $0x0  }
0x20: {  	s10 =	smov.u32 s14;
	s9 =	smov.u32 s13;
	[sflag:s12] =	ssyncadd.s32 @!p1 $0xFFFFE000  }
.LBB1_1:
0x21: {  	p1 =	sge.u32 s10, s6  }
0x22: {  	s12 =	sand.u32 @!p1 $0x1FFFFFF, s9  }
0x23: {  	s13 =	smulhi.u32 @!p1 $0x147AE15, s12;
	_ =	sdelay $0x1  }
0x24: {  	s13 =	sshrl.u32 @!p1 s13, $0xC  }
0x25: {  	s13 =	smul.u32 @!p1 $0xC8000, s13;
	_ =	sdelay $0x1  }
0x26: {  	s31 =	sadd.s32 $0xFFFFFFFF, s10;
	s14 =	sxor.u32 @!p1 $0xFFFFFFFF, s10;
	s12 =	ssub.s32 @!p1 s12, s13  }
0x27: {  	s15 =	simm.s32 @!p1 $0x80;
	s14 =	sshll.u32 @!p1 s14, $0xD;
	s12 =	sshll.u32 @!p1 s12, $0x4  }
0x28: {  	s13 =	sand.u32 @!p1 $0x2000, s14;
	s14 =	simm.s32 @!p1 $0x40;
	s12 =	sadd.s32 @!p1 s4, s12  }
0x29: {  	[tilespmem:s13], [sflag:$0x1] =	stream.strided.gather @!p1 [hbm4b:s12+s14], $0x2000, s15, s14, $0x38;
	[tilespmem:$0x8080] =	vst v63  }
0x2a: {  	p1 =	sge.u32 s31, s6  }
.Ltmp2:
0x2b: {  	_ = 	snop;
	(pc) =	sbr.rel @p1 .LBB1_5-.Ltmp2, $1  }
0x2c: {  	_ =	sdelay $0x3  }
0x2d: {  	s12 =	simm.s32 $0x1  }
0x2e: {  	_ =	swait.ge [sflag:s5], $0x2000;
	s12 =	simm.s32 @!p0 $0x0  }
0x2f: {  	[sflag:s5] =	ssyncset.done $0x0;
	s13 =	sshll.u32 s12, $0xD  }
0x30: {  	[sflag:s5] =	ssyncadd.s32 $0xFFFFE000;
	s16 =	sor.u32 $0x20, s13  }
0x31: {  	s12 =	smul.u32 $0x8100, s12;
	v3 =	vld [tilespmem:s16+$0x10]  }
0x32: {  	s30 =	sand.u32 $0x1, s10;
	v2 =	vld [tilespmem:s16+$0xFFFFFFF0]  }
0x33: {  	s13 =	smul.u32 $0x8100, s30;
	s12 =	sshrl.u32 s12, $0x2;
	v0 =	vld [tilespmem:s16+$0x0]  }
0x34: {  	v1 =	vld [tilespmem:s16+$0xFFFFFFE0];
	s14 =	sor.u32 $0x4000, s12  }
0x35: {  	s31 =	sshrl.u32 s13, $0x2;
	s13 =	sadd.s32 $0x0, s14  }
0x36: {  	s15 =	simm.s32 $0x4;
	s16 =	sadd.s32 $0x40, s16;
	s12 =	sor.u32 $0x4000, s31;
	[tilespmem:s13+$0x1830 ss:$0x81] =	vst.msk $0xffff, v3  }
.LBB1_3:
0x37: {  	v3 =	vld [tilespmem:s16+$0x10];
	p1 =	sne.s32 s15, $0x1FC;
	[tilespmem:s13+$0x810 ss:$0x81] =	vst.msk $0xffff, v2;
	s17 =	smov.u32 s15;
	s15 =	sadd.s32 $0x4, s15  }
.Ltmp3:
0x38: {  	v2 =	vld [tilespmem:s16+$0xFFFFFFF0];
	[tilespmem:s13+$0x1020 ss:$0x81] =	vst.msk $0xffff, v0;
	(pc) =	sbr.rel @p1 .LBB1_3-.Ltmp3, $4  }
0x39: {  	v0 =	vld [tilespmem:s16+$0x0];
	[tilespmem:s13+$0x0 ss:$0x81] =	vst.msk $0xffff, v1  }
0x3a: {  	s13 =	sshra.s32 s17, $0x2;
	v1 =	vld [tilespmem:s16+$0xFFFFFFE0]  }
0x3b: {  	s13 =	sadd.s32 s13, s14  }
0x3c: {  	s16 =	sadd.s32 $0x40, s16;
	[tilespmem:s13+$0x1830 ss:$0x81] =	vst.msk $0xffff, v3  }
.Ltmp4:
0x3d: {  	_ = 	snop;
	(pc) =	sbr.rel .LBB1_4-.Ltmp4, $1  }
0x3e: {  	_ =	sdelay $0x3  }
.LBB1_6:
0x3f: {  	_ =	sfence.sel $0x180000  }
0x40: {  	s2 =	simm.s32 $0x1;
	[bflag:$0x0] =	sbarrier.arrive $0xFFFF  }
0x41: {  	s31 =	simm.s32 $0x2;
	[sflag:s2] =	ssyncpa.u1 $0x1  }
0x42: {  	[sflag:s31] =	ssyncpa.u1 $0x1  }
0x43: {  	p0 =	sne.s32 s0, $0x0;
	_ =	strace $0x9000004A  }
0x44: {  	s0 =	sadd.s32 @!p0 $0x100000, s1;
	[bflag:$0x2] =	sbarrier.arrive $0xFFFF  }
0x45: {  	[sflag:s0] =	ssyncadd.tile.s32 @!p0 $0x1;
	_ =	shalt  }
.Lfunc_end1:
_tile_overlayer_lowered:
.L_overlay_start_2:
0x46: {  	(tag) =	ssettag $0x2  }
0x47: {  	s0 =	rddreg [dreg:$0x0];
	s2 =	stileid.u32  }
0x48: {  	s1 =	rddreg [dreg:$0x1];
	p0 =	sne.s32 s2, $0x0  }
0x49: {  	s3 =	rddreg [dreg:$0x2];
	[bflag:$0x3] =	sbarrier.arrive $0xFFFF;
	s2 =	simm.s32 @!p0 $0x1C01  }
0x4a: {  	[timem:s3], [sflag:s2] =	dma.local @!p0 [hbm:s0], s1  }
0x4b: {  	s0 =	simm.s32 @!p0 $0x1  }
0x4c: {  	_ =	swait.ge @!p0 [sflag:s0], s1  }
0x4d: {  	s1 =	ssub.s32 @!p0 $0x0, s1;
	[sflag:s0] =	ssyncset.done @!p0 $0x0  }
0x4e: {  	[sflag:s0] =	ssyncadd.s32 @!p0 s1  }
0x4f: {  	[bflag:$0x3] =	sbarrier.arrive $0xFFFF  }
0x50: {  	_ =	shalt  }

</sc_bundles>
